<compile_context>
chip_gen: v7x
topology: tpu7x:2x2x1
jax: 0.10.2.dev20260603
libtpu: 0.0.44.dev20260713+nightly
codegen_flags: <defaults>
</compile_context>

<pallas_src>
import functools

import jax
import jax.numpy as jnp
from jax import lax
from jax.experimental import pallas as pl
from jax.experimental.pallas import tpu as pltpu
from jax.experimental.pallas import tpu_sc as plsc

N = 10000
NPAD = 10240
E = 320000
EPAD = 327680
D = 128
NC, NS = 2, 16
NW = NC * NS
CHUNK = 64
CPT = EPAD // NW // CHUNK
RPT = NPAD // NS

_mesh = plsc.VectorSubcoreMesh(core_axis_name="c", subcore_axis_name="s")



@functools.partial(
    pl.kernel,
    out_type=jax.ShapeDtypeStruct((NC, NPAD, D), jnp.float32),
    mesh=_mesh,
    scratch_types=[
        pltpu.VMEM((CPT, CHUNK), jnp.int32),
        pltpu.VMEM((CHUNK, D), jnp.float32),
        pltpu.VMEM_SHARED((NPAD, D), jnp.float32),
    ],
)
def _deg_kernel(dst_hbm, ones_hbm, zeros_hbm, deg_out, idx_v, ones_v, deg_sh):
    c = lax.axis_index("c")
    s = lax.axis_index("s")
    wid = s * NC + c
    pltpu.sync_copy(zeros_hbm.at[pl.ds(s * RPT, RPT)], deg_sh.at[pl.ds(s * RPT, RPT)])
    pltpu.sync_copy(ones_hbm, ones_v)
    pltpu.sync_copy(dst_hbm.at[pl.ds(wid * CPT, CPT)], idx_v)
    plsc.subcore_barrier()

    def body(j, carry):
        pltpu.sync_copy(ones_v, deg_sh.at[idx_v.at[j]], add=True)
        return carry

    lax.fori_loop(0, CPT, body, 0)
    plsc.subcore_barrier()
    pltpu.sync_copy(deg_sh.at[pl.ds(s * RPT, RPT)],
                    deg_out.at[c, pl.ds(s * RPT, RPT)])



W = 32
K0 = 256
K1 = 64


@functools.partial(
    pl.kernel,
    out_type=jax.ShapeDtypeStruct((NC, NPAD, D), jnp.float32),
    mesh=_mesh,
    scratch_types=[
        pltpu.VMEM((W, CHUNK), jnp.int32),
        pltpu.VMEM((W, CHUNK), jnp.int32),
        pltpu.VMEM((CHUNK, D), jnp.float32),
        pltpu.VMEM((CHUNK, D), jnp.float32),
        pltpu.SemaphoreType.DMA,
        pltpu.SemaphoreType.DMA,
        pltpu.VMEM_SHARED((NPAD, D), jnp.float32),
    ],
)
def _gs_kernel(tab_hbm, src_hbm, dst_hbm, zeros_hbm, agg_out,
               sidx, didx, g0, g1, sem0, sem1, acc_sh):
    c = lax.axis_index("c")
    s = lax.axis_index("s")
    pltpu.sync_copy(zeros_hbm.at[pl.ds(s * RPT, RPT)], acc_sh.at[pl.ds(s * RPT, RPT)])
    plsc.subcore_barrier()

    nwin = jnp.where(c == 0, K0 // W, K1 // W)
    base = jnp.where(c == 0, s * K0, 16 * K0 + s * K1)
    bufs = ((g0, sem0), (g1, sem1))

    def window(w, carry):
        wb0 = base + w * W
        pltpu.sync_copy(src_hbm.at[pl.ds(wb0, W)], sidx)
        pltpu.sync_copy(dst_hbm.at[pl.ds(wb0, W)], didx)
        for b in range(2):
            pltpu.async_copy(tab_hbm.at[sidx.at[b]], bufs[b][0], bufs[b][1])

        def body(k, carry2):
            for b in range(2):
                g, sem = bufs[b]
                j = 2 * k + b
                pltpu.make_async_copy(tab_hbm.at[sidx.at[j]], g, sem).wait()
                pltpu.sync_copy(g, acc_sh.at[didx.at[j]], add=True)
                pltpu.async_copy(tab_hbm.at[sidx.at[j + 2]], g, sem)
            return carry2

        lax.fori_loop(0, W // 2 - 1, body, 0)
        for b in range(2):
            g, sem = bufs[b]
            j = W - 2 + b
            pltpu.make_async_copy(tab_hbm.at[sidx.at[j]], g, sem).wait()
            pltpu.sync_copy(g, acc_sh.at[didx.at[j]], add=True)
        return carry

    lax.fori_loop(0, nwin, window, 0)
    plsc.subcore_barrier()
    pltpu.sync_copy(acc_sh.at[pl.ds(s * RPT, RPT)],
                    agg_out.at[c, pl.ds(s * RPT, RPT)])



def _scale_body(deg_ref, x_ref, xs_ref, norm_ref):
    deg = jnp.sum(deg_ref[...], axis=(0, 2)) * (1.0 / D)
    norm = lax.rsqrt(jnp.maximum(deg, 1.0))[:, None]
    xs_ref[...] = x_ref[...] * norm
    norm_ref[...] = norm


def _scale_call(deg2, x_pad):
    R = 1024
    return pl.pallas_call(
        _scale_body,
        grid=(NPAD // R,),
        in_specs=[
            pl.BlockSpec((NC, R, D), lambda i: (0, i, 0)),
            pl.BlockSpec((R, D), lambda i: (i, 0)),
        ],
        out_specs=[
            pl.BlockSpec((R, D), lambda i: (i, 0)),
            pl.BlockSpec((R, 1), lambda i: (i, 0)),
        ],
        out_shape=[
            jax.ShapeDtypeStruct((NPAD, D), jnp.float32),
            jax.ShapeDtypeStruct((NPAD, 1), jnp.float32),
        ],
    )(deg2, x_pad)



def _mm_body(relu, postscale, agg_ref, norm_ref, w_ref, b_ref, out_ref):
    norm = norm_ref[...]
    a = (agg_ref[0] + agg_ref[1]) * norm
    h = jnp.dot(a, w_ref[...], preferred_element_type=jnp.float32) + b_ref[...]
    if relu:
        h = jnp.maximum(h, 0.0)
    if postscale:
        h = h * norm
    out_ref[...] = h


def _mm_call(agg2, norm, W, b, relu, postscale):
    R = 1024
    return pl.pallas_call(
        functools.partial(_mm_body, relu, postscale),
        grid=(NPAD // R,),
        in_specs=[
            pl.BlockSpec((NC, R, D), lambda i: (0, i, 0)),
            pl.BlockSpec((R, 1), lambda i: (i, 0)),
            pl.BlockSpec((D, D), lambda i: (0, 0)),
            pl.BlockSpec((1, D), lambda i: (0, 0)),
        ],
        out_specs=pl.BlockSpec((R, D), lambda i: (i, 0)),
        out_shape=jax.ShapeDtypeStruct((NPAD, D), jnp.float32),
    )(agg2, norm, W, b.reshape(1, D))


def kernel(x, edge_index, W1, b1, W2, b2):
    src = edge_index[0].astype(jnp.int32)
    dst = edge_index[1].astype(jnp.int32)
    pad = jnp.full((EPAD - E,), N, jnp.int32)
    src2 = jnp.concatenate([src, pad]).reshape(EPAD // CHUNK, CHUNK)
    dst2 = jnp.concatenate([dst, pad]).reshape(EPAD // CHUNK, CHUNK)
    x_pad = jnp.pad(x, ((0, NPAD - N), (0, 0)))
    onesD = jnp.ones((CHUNK, D), jnp.float32)
    zerosD = jnp.zeros((NPAD, D), jnp.float32)

    deg2 = _deg_kernel(dst2, onesD, zerosD)
    xs, norm = _scale_call(deg2, x_pad)
    agg1 = _gs_kernel(xs, src2, dst2, zerosD)
    h = _mm_call(agg1, norm, W1, b1, relu=True, postscale=True)
    agg2 = _gs_kernel(h, src2, dst2, zerosD)
    out = _mm_call(agg2, norm, W2, b2, relu=False, postscale=False)
    return out[:N]

# --- scband reference (transcript-rebuilt; emitter-appended) ---
"""Pipeline reference for scband-gnnbase-37460704755884 (READ-ONLY COPY).

The authoritative reference and input builder live on the scoring server;
editing this copy changes nothing except your own understanding.
"""

import jax, jax.numpy as jnp
import numpy as np

N = 10000
E = 320000
D_IN = 128
D_HID = 128
D_OUT = 128


def setup_inputs(seed: int = 0) -> dict:
    key = jax.random.key(seed)
    k_x, k_e, k_w1, k_b1, k_w2, k_b2 = jax.random.split(key, 6)
    x = jax.random.normal(k_x, (N, D_IN), dtype=jnp.float32)
    edge_index = jax.random.randint(k_e, (2, E), 0, N, dtype=jnp.int64)
    W1 = jax.random.normal(k_w1, (D_IN, D_HID), dtype=jnp.float32) * (1.0 / np.sqrt(D_IN))
    b1 = jnp.zeros((D_HID,), dtype=jnp.float32)
    W2 = jax.random.normal(k_w2, (D_HID, D_OUT), dtype=jnp.float32) * (1.0 / np.sqrt(D_HID))
    b2 = jnp.zeros((D_OUT,), dtype=jnp.float32)
    return {"x": x, "edge_index": edge_index, "W1": W1, "b1": b1, "W2": W2, "b2": b2}


def _graph_conv(h, src, dst, W, b):
    # GCN-style conv with symmetric degree normalization (matches dgl GraphConv)
    n = h.shape[0]
    deg = jnp.zeros((n,), dtype=h.dtype).at[dst].add(1.0)
    norm = jax.lax.rsqrt(jnp.clip(deg, 1.0))
    h = h * norm[:, None]
    msgs = jnp.take(h, src, axis=0)          # gather over edges
    agg = jax.ops.segment_sum(msgs, dst, num_segments=n)  # scatter-add
    agg = agg * norm[:, None]
    return agg @ W + b


def reference(x, edge_index, W1, b1, W2, b2):
    src = edge_index[0]
    dst = edge_index[1]
    # layer 0 (with nonlinearity), layer 1 (no nonlinearity) per GNNBase.forward
    h = jax.nn.relu(_graph_conv(x, src, dst, W1, b1))
    out = _graph_conv(h, src, dst, W2, b2)
    return out

if __name__ == "__main__":
    import jax
    _d = setup_inputs()
    print(jax.jit(kernel)(*tuple(_d.values())))

</pallas_src>

<mosaic_0001>
#map = affine_map<(d0, d1) -> (0, 0)>
#map1 = affine_map<(d0, d1) -> (0, 0, 0)>
module attributes {stable_mosaic.version = 14 : i64} {
  func.func @_deg_kernel(%arg0: i32, %arg1: i32, %arg2: memref<5120x64xi32, #tpu.memory_space<hbm>>, %arg3: memref<64x128xf32, #tpu.memory_space<hbm>>, %arg4: memref<10240x128xf32, #tpu.memory_space<hbm>>, %arg5: memref<2x10240x128xf32, #tpu.memory_space<hbm>>, %arg6: memref<160x64xi32, #tpu.memory_space<vmem>>, %arg7: memref<64x128xf32, #tpu.memory_space<vmem>>, %arg8: memref<10240x128xf32, #tpu.memory_space<vmem_shared>>) attributes {dimension_semantics = [#tpu.dimension_semantics<core_parallel>, #tpu.dimension_semantics<subcore_parallel>], iteration_bounds = array<i64: 2, 16>, scalar_prefetch = 0 : i64, scratch_operands = 3 : i64, tpu.core_type = #tpu.core_type<sc_vector_subcore>, window_params = [{transform_indices = #map}, {transform_indices = #map}, {transform_indices = #map}, {transform_indices = #map1}]} {
    %mul3A = arith.constant 2 : i32
    %mul3A_0 = arith.muli %arg1, %mul3A : i32
    %add3A = arith.addi %mul3A_0, %arg0 : i32
    %mul3A_1 = arith.constant 640 : i32
    %mul3A_2 = arith.muli %arg1, %mul3A_1 : i32
    %mul3A_3 = arith.constant 640 : i32
    %mul3A_4 = arith.muli %arg1, %mul3A_3 : i32
    "tpu.region"() ({
      %run_scoped3A = tpu.sem_alloc : memref<!tpu.dma_semaphore, #tpu.memory_space<semaphore_mem>>
      %dma_start3A = arith.constant 0 : i32
      %dma_start3A_17 = tpu.memref_slice %arg8[%mul3A_4, %dma_start3A] : memref<10240x128xf32, #tpu.memory_space<vmem_shared>> -> memref<640x128xf32, #tpu.memory_space<vmem_shared>>
      %dma_start3A_18 = arith.constant 0 : i32
      %dma_start3A_19 = tpu.memref_slice %arg4[%mul3A_2, %dma_start3A_18] : memref<10240x128xf32, #tpu.memory_space<hbm>> -> memref<640x128xf32, #tpu.memory_space<hbm>>
      tpu.enqueue_dma source(%dma_start3A_19 : memref<640x128xf32, #tpu.memory_space<hbm>>) target(%dma_start3A_17 : memref<640x128xf32, #tpu.memory_space<vmem_shared>>) target_semaphore(%run_scoped3A : memref<!tpu.dma_semaphore, #tpu.memory_space<semaphore_mem>>)
      %dma_wait3A = arith.constant 0 : i32
      %dma_wait3A_20 = tpu.memref_slice %arg8[%mul3A_4, %dma_wait3A] : memref<10240x128xf32, #tpu.memory_space<vmem_shared>> -> memref<640x128xf32, #tpu.memory_space<vmem_shared>>
      %dma_wait3A_21 = arith.constant 0 : i32
      %dma_wait3A_22 = tpu.memref_slice %arg4[%mul3A_2, %dma_wait3A_21] : memref<10240x128xf32, #tpu.memory_space<hbm>> -> memref<640x128xf32, #tpu.memory_space<hbm>>
      tpu.wait_dma2 semaphore(%run_scoped3A : memref<!tpu.dma_semaphore, #tpu.memory_space<semaphore_mem>>) src(%dma_wait3A_22 : memref<640x128xf32, #tpu.memory_space<hbm>>) dst(%dma_wait3A_20 : memref<640x128xf32, #tpu.memory_space<vmem_shared>>)
      tpu.yield
    }) : () -> ()
    "tpu.region"() ({
      %run_scoped3A = tpu.sem_alloc : memref<!tpu.dma_semaphore, #tpu.memory_space<semaphore_mem>>
      tpu.enqueue_dma source(%arg3 : memref<64x128xf32, #tpu.memory_space<hbm>>) target(%arg7 : memref<64x128xf32, #tpu.memory_space<vmem>>) target_semaphore(%run_scoped3A : memref<!tpu.dma_semaphore, #tpu.memory_space<semaphore_mem>>)
      tpu.wait_dma2 semaphore(%run_scoped3A : memref<!tpu.dma_semaphore, #tpu.memory_space<semaphore_mem>>) src(%arg3 : memref<64x128xf32, #tpu.memory_space<hbm>>) dst(%arg7 : memref<64x128xf32, #tpu.memory_space<vmem>>)
      tpu.yield
    }) : () -> ()
    %mul3A_5 = arith.constant 160 : i32
    %mul3A_6 = arith.muli %add3A, %mul3A_5 : i32
    "tpu.region"() ({
      %run_scoped3A = tpu.sem_alloc : memref<!tpu.dma_semaphore, #tpu.memory_space<semaphore_mem>>
      %dma_start3A = arith.constant 0 : i32
      %dma_start3A_17 = tpu.memref_slice %arg2[%mul3A_6, %dma_start3A] : memref<5120x64xi32, #tpu.memory_space<hbm>> -> memref<160x64xi32, #tpu.memory_space<hbm>>
      %dma_start3A_18 = arith.constant 0 : i32
      %dma_start3A_19 = tpu.memref_slice %arg2[%mul3A_6, %dma_start3A_18] : memref<5120x64xi32, #tpu.memory_space<hbm>> -> memref<160x64xi32, #tpu.memory_space<hbm>>
      tpu.enqueue_dma source(%dma_start3A_19 : memref<160x64xi32, #tpu.memory_space<hbm>>) target(%arg6 : memref<160x64xi32, #tpu.memory_space<vmem>>) target_semaphore(%run_scoped3A : memref<!tpu.dma_semaphore, #tpu.memory_space<semaphore_mem>>)
      %dma_wait3A = arith.constant 0 : i32
      %dma_wait3A_20 = tpu.memref_slice %arg2[%mul3A_6, %dma_wait3A] : memref<5120x64xi32, #tpu.memory_space<hbm>> -> memref<160x64xi32, #tpu.memory_space<hbm>>
      %dma_wait3A_21 = arith.constant 0 : i32
      %dma_wait3A_22 = tpu.memref_slice %arg2[%mul3A_6, %dma_wait3A_21] : memref<5120x64xi32, #tpu.memory_space<hbm>> -> memref<160x64xi32, #tpu.memory_space<hbm>>
      tpu.wait_dma2 semaphore(%run_scoped3A : memref<!tpu.dma_semaphore, #tpu.memory_space<semaphore_mem>>) src(%dma_wait3A_22 : memref<160x64xi32, #tpu.memory_space<hbm>>) dst(%arg6 : memref<160x64xi32, #tpu.memory_space<vmem>>)
      tpu.yield
    }) : () -> ()
    %barrier3A = arith.constant 0 : index
    tpu.barrier barrier_id(%barrier3A)
    %scan3A = arith.constant 0 : i32
    %scan3A_7 = arith.constant 0 : i32
    %scan3A_8 = arith.constant 160 : i32
    %scan3A_9 = arith.addi %scan3A_7, %scan3A_8 : i32
    %scan3A_10 = arith.constant 1 : i32
    scf.for %scan3A_17 = %scan3A_7 to %scan3A_9 step %scan3A_10  : i32 {
      "tpu.region"() ({
        %run_scoped3A = tpu.sem_alloc : memref<!tpu.dma_semaphore, #tpu.memory_space<semaphore_mem>>
        %dma_start3A = arith.constant 0 : i32
        %dma_start3A_18 = tpu.memref_slice %arg6[%scan3A_17, %dma_start3A] : memref<160x64xi32, #tpu.memory_space<vmem>> -> memref<1x64xi32, #tpu.memory_space<vmem>>
        %dma_start3A_19 = tpu.memref_squeeze %dma_start3A_18 : memref<1x64xi32, #tpu.memory_space<vmem>> -> memref<64xi32, #tpu.memory_space<vmem>>
        %dma_start3A_20 = arith.constant 0 : i32
        %dma_start3A_21 = arith.constant 0 : i32
        %dma_start3A_22 = tpu.memref_slice %arg8[%dma_start3A_20, %dma_start3A_21] : memref<10240x128xf32, #tpu.memory_space<vmem_shared>> -> memref<10240x128xf32, #tpu.memory_space<vmem_shared>>
        tpu.enqueue_indirect_dma source(%arg7 : memref<64x128xf32, #tpu.memory_space<vmem>>) target(%dma_start3A_22 : memref<10240x128xf32, #tpu.memory_space<vmem_shared>>) offsets(%dma_start3A_19 : memref<64xi32, #tpu.memory_space<vmem>>) semaphore(%run_scoped3A : memref<!tpu.dma_semaphore, #tpu.memory_space<semaphore_mem>>) {add = true}
        %dma_wait3A = arith.constant 0 : i32
        %dma_wait3A_23 = tpu.memref_slice %arg6[%scan3A_17, %dma_wait3A] : memref<160x64xi32, #tpu.memory_space<vmem>> -> memref<1x64xi32, #tpu.memory_space<vmem>>
        %dma_wait3A_24 = tpu.memref_squeeze %dma_wait3A_23 : memref<1x64xi32, #tpu.memory_space<vmem>> -> memref<64xi32, #tpu.memory_space<vmem>>
        %dma_wait3A_25 = arith.constant 0 : i32
        %dma_wait3A_26 = arith.constant 0 : i32
        %dma_wait3A_27 = tpu.memref_slice %arg8[%dma_wait3A_25, %dma_wait3A_26] : memref<10240x128xf32, #tpu.memory_space<vmem_shared>> -> memref<10240x128xf32, #tpu.memory_space<vmem_shared>>
        tpu.wait_indirect_dma semaphore(%run_scoped3A : memref<!tpu.dma_semaphore, #tpu.memory_space<semaphore_mem>>) src(%arg7 : memref<64x128xf32, #tpu.memory_space<vmem>>) dst(%dma_wait3A_27 : memref<10240x128xf32, #tpu.memory_space<vmem_shared>>)
        tpu.yield
      }) : () -> ()
    }
    %scan3A_11 = arith.constant 160 : i32
    %barrier3A_12 = arith.constant 0 : index
    tpu.barrier barrier_id(%barrier3A_12)
    %mul3A_13 = arith.constant 640 : i32
    %mul3A_14 = arith.muli %arg1, %mul3A_13 : i32
    %mul3A_15 = arith.constant 640 : i32
    %mul3A_16 = arith.muli %arg1, %mul3A_15 : i32
    "tpu.region"() ({
      %run_scoped3A = tpu.sem_alloc : memref<!tpu.dma_semaphore, #tpu.memory_space<semaphore_mem>>
      %dma_start3A = arith.constant 0 : i32
      %dma_start3A_17 = tpu.memref_slice %arg5[%arg0, %mul3A_16, %dma_start3A] : memref<2x10240x128xf32, #tpu.memory_space<hbm>> -> memref<1x640x128xf32, #tpu.memory_space<hbm>>
      %dma_start3A_18 = tpu.memref_squeeze %dma_start3A_17 : memref<1x640x128xf32, #tpu.memory_space<hbm>> -> memref<640x128xf32, #tpu.memory_space<hbm>>
      %dma_start3A_19 = arith.constant 0 : i32
      %dma_start3A_20 = tpu.memref_slice %arg8[%mul3A_14, %dma_start3A_19] : memref<10240x128xf32, #tpu.memory_space<vmem_shared>> -> memref<640x128xf32, #tpu.memory_space<vmem_shared>>
      tpu.enqueue_dma source(%dma_start3A_20 : memref<640x128xf32, #tpu.memory_space<vmem_shared>>) target(%dma_start3A_18 : memref<640x128xf32, #tpu.memory_space<hbm>>) target_semaphore(%run_scoped3A : memref<!tpu.dma_semaphore, #tpu.memory_space<semaphore_mem>>)
      %dma_wait3A = arith.constant 0 : i32
      %dma_wait3A_21 = tpu.memref_slice %arg5[%arg0, %mul3A_16, %dma_wait3A] : memref<2x10240x128xf32, #tpu.memory_space<hbm>> -> memref<1x640x128xf32, #tpu.memory_space<hbm>>
      %dma_wait3A_22 = tpu.memref_squeeze %dma_wait3A_21 : memref<1x640x128xf32, #tpu.memory_space<hbm>> -> memref<640x128xf32, #tpu.memory_space<hbm>>
      %dma_wait3A_23 = arith.constant 0 : i32
      %dma_wait3A_24 = tpu.memref_slice %arg8[%mul3A_14, %dma_wait3A_23] : memref<10240x128xf32, #tpu.memory_space<vmem_shared>> -> memref<640x128xf32, #tpu.memory_space<vmem_shared>>
      tpu.wait_dma2 semaphore(%run_scoped3A : memref<!tpu.dma_semaphore, #tpu.memory_space<semaphore_mem>>) src(%dma_wait3A_24 : memref<640x128xf32, #tpu.memory_space<vmem_shared>>) dst(%dma_wait3A_22 : memref<640x128xf32, #tpu.memory_space<hbm>>)
      tpu.yield
    }) : () -> ()
    return
  }
}

#map = affine_map<(d0, d1) -> (0, 0)>
#map1 = affine_map<(d0, d1) -> (0, 0, 0)>
module attributes {stable_mosaic.version = 14 : i64} {
  func.func @_gs_kernel(%arg0: i32, %arg1: i32, %arg2: memref<10240x128xf32, #tpu.memory_space<hbm>>, %arg3: memref<5120x64xi32, #tpu.memory_space<hbm>>, %arg4: memref<5120x64xi32, #tpu.memory_space<hbm>>, %arg5: memref<10240x128xf32, #tpu.memory_space<hbm>>, %arg6: memref<2x10240x128xf32, #tpu.memory_space<hbm>>, %arg7: memref<32x64xi32, #tpu.memory_space<vmem>>, %arg8: memref<32x64xi32, #tpu.memory_space<vmem>>, %arg9: memref<64x128xf32, #tpu.memory_space<vmem>>, %arg10: memref<64x128xf32, #tpu.memory_space<vmem>>, %arg11: memref<!tpu.dma_semaphore, #tpu.memory_space<semaphore_mem>>, %arg12: memref<!tpu.dma_semaphore, #tpu.memory_space<semaphore_mem>>, %arg13: memref<10240x128xf32, #tpu.memory_space<vmem_shared>>) attributes {dimension_semantics = [#tpu.dimension_semantics<core_parallel>, #tpu.dimension_semantics<subcore_parallel>], iteration_bounds = array<i64: 2, 16>, scalar_prefetch = 0 : i64, scratch_operands = 7 : i64, tpu.core_type = #tpu.core_type<sc_vector_subcore>, window_params = [{transform_indices = #map}, {transform_indices = #map}, {transform_indices = #map}, {transform_indices = #map}, {transform_indices = #map1}]} {
    %mul3A = arith.constant 640 : i32
    %mul3A_0 = arith.muli %arg1, %mul3A : i32
    %mul3A_1 = arith.constant 640 : i32
    %mul3A_2 = arith.muli %arg1, %mul3A_1 : i32
    "tpu.region"() ({
      %run_scoped3A = tpu.sem_alloc : memref<!tpu.dma_semaphore, #tpu.memory_space<semaphore_mem>>
      %dma_start3A = arith.constant 0 : i32
      %dma_start3A_27 = tpu.memref_slice %arg13[%mul3A_2, %dma_start3A] : memref<10240x128xf32, #tpu.memory_space<vmem_shared>> -> memref<640x128xf32, #tpu.memory_space<vmem_shared>>
      %dma_start3A_28 = arith.constant 0 : i32
      %dma_start3A_29 = tpu.memref_slice %arg5[%mul3A_0, %dma_start3A_28] : memref<10240x128xf32, #tpu.memory_space<hbm>> -> memref<640x128xf32, #tpu.memory_space<hbm>>
      tpu.enqueue_dma source(%dma_start3A_29 : memref<640x128xf32, #tpu.memory_space<hbm>>) target(%dma_start3A_27 : memref<640x128xf32, #tpu.memory_space<vmem_shared>>) target_semaphore(%run_scoped3A : memref<!tpu.dma_semaphore, #tpu.memory_space<semaphore_mem>>)
      %dma_wait3A = arith.constant 0 : i32
      %dma_wait3A_30 = tpu.memref_slice %arg13[%mul3A_2, %dma_wait3A] : memref<10240x128xf32, #tpu.memory_space<vmem_shared>> -> memref<640x128xf32, #tpu.memory_space<vmem_shared>>
      %dma_wait3A_31 = arith.constant 0 : i32
      %dma_wait3A_32 = tpu.memref_slice %arg5[%mul3A_0, %dma_wait3A_31] : memref<10240x128xf32, #tpu.memory_space<hbm>> -> memref<640x128xf32, #tpu.memory_space<hbm>>
      tpu.wait_dma2 semaphore(%run_scoped3A : memref<!tpu.dma_semaphore, #tpu.memory_space<semaphore_mem>>) src(%dma_wait3A_32 : memref<640x128xf32, #tpu.memory_space<hbm>>) dst(%dma_wait3A_30 : memref<640x128xf32, #tpu.memory_space<vmem_shared>>)
      tpu.yield
    }) : () -> ()
    %barrier3A = arith.constant 0 : index
    tpu.barrier barrier_id(%barrier3A)
    %eq3A = arith.constant 0 : i32
    %eq3A_3 = arith.cmpi eq, %arg0, %eq3A : i32
    %jit3A = arith.constant 8 : i32
    %jit3A_4 = arith.constant 2 : i32
    %select_n3A = arith.select %eq3A_3, %jit3A, %jit3A_4 : i32
    %eq3A_5 = arith.constant 0 : i32
    %eq3A_6 = arith.cmpi eq, %arg0, %eq3A_5 : i32
    %mul3A_7 = arith.constant 256 : i32
    %mul3A_8 = arith.muli %arg1, %mul3A_7 : i32
    %mul3A_9 = arith.constant 64 : i32
    %mul3A_10 = arith.muli %arg1, %mul3A_9 : i32
    %add3A = arith.constant 4096 : i32
    %add3A_11 = arith.addi %add3A, %mul3A_10 : i32
    %select_n3A_12 = arith.select %eq3A_6, %mul3A_8, %add3A_11 : i32
    %while3A = arith.constant 0 : i32
    %while3A_13 = arith.constant 0 : i32
    %while3A_14 = arith.subi %select_n3A, %while3A_13 : i32
    %while3A_15 = arith.addi %while3A_13, %while3A_14 : i32
    %while3A_16 = arith.constant 1 : i32
    %while3A_17 = arith.divsi %while3A_14, %while3A_16 : i32
    %while3A_18 = arith.muli %while3A_17, %while3A_16 : i32
    %while3A_19 = arith.addi %while3A_13, %while3A_18 : i32
    %while3A_20 = arith.constant 1 : i32
    scf.for %while3A_27 = %while3A_13 to %while3A_19 step %while3A_20  : i32 {
      %mul3A_28 = arith.constant 32 : i32
      %mul3A_29 = arith.muli %while3A_27, %mul3A_28 : i32
      %add3A_30 = arith.addi %select_n3A_12, %mul3A_29 : i32
      "tpu.region"() ({
        %run_scoped3A_63 = tpu.sem_alloc : memref<!tpu.dma_semaphore, #tpu.memory_space<semaphore_mem>>
        %dma_start3A_64 = arith.constant 0 : i32
        %dma_start3A_65 = tpu.memref_slice %arg3[%add3A_30, %dma_start3A_64] : memref<5120x64xi32, #tpu.memory_space<hbm>> -> memref<32x64xi32, #tpu.memory_space<hbm>>
        %dma_start3A_66 = arith.constant 0 : i32
        %dma_start3A_67 = tpu.memref_slice %arg3[%add3A_30, %dma_start3A_66] : memref<5120x64xi32, #tpu.memory_space<hbm>> -> memref<32x64xi32, #tpu.memory_space<hbm>>
        tpu.enqueue_dma source(%dma_start3A_67 : memref<32x64xi32, #tpu.memory_space<hbm>>) target(%arg7 : memref<32x64xi32, #tpu.memory_space<vmem>>) target_semaphore(%run_scoped3A_63 : memref<!tpu.dma_semaphore, #tpu.memory_space<semaphore_mem>>)
        %dma_wait3A_68 = arith.constant 0 : i32
        %dma_wait3A_69 = tpu.memref_slice %arg3[%add3A_30, %dma_wait3A_68] : memref<5120x64xi32, #tpu.memory_space<hbm>> -> memref<32x64xi32, #tpu.memory_space<hbm>>
        %dma_wait3A_70 = arith.constant 0 : i32
        %dma_wait3A_71 = tpu.memref_slice %arg3[%add3A_30, %dma_wait3A_70] : memref<5120x64xi32, #tpu.memory_space<hbm>> -> memref<32x64xi32, #tpu.memory_space<hbm>>
        tpu.wait_dma2 semaphore(%run_scoped3A_63 : memref<!tpu.dma_semaphore, #tpu.memory_space<semaphore_mem>>) src(%dma_wait3A_71 : memref<32x64xi32, #tpu.memory_space<hbm>>) dst(%arg7 : memref<32x64xi32, #tpu.memory_space<vmem>>)
        tpu.yield
      }) : () -> ()
      "tpu.region"() ({
        %run_scoped3A_63 = tpu.sem_alloc : memref<!tpu.dma_semaphore, #tpu.memory_space<semaphore_mem>>
        %dma_start3A_64 = arith.constant 0 : i32
        %dma_start3A_65 = tpu.memref_slice %arg4[%add3A_30, %dma_start3A_64] : memref<5120x64xi32, #tpu.memory_space<hbm>> -> memref<32x64xi32, #tpu.memory_space<hbm>>
        %dma_start3A_66 = arith.constant 0 : i32
        %dma_start3A_67 = tpu.memref_slice %arg4[%add3A_30, %dma_start3A_66] : memref<5120x64xi32, #tpu.memory_space<hbm>> -> memref<32x64xi32, #tpu.memory_space<hbm>>
        tpu.enqueue_dma source(%dma_start3A_67 : memref<32x64xi32, #tpu.memory_space<hbm>>) target(%arg8 : memref<32x64xi32, #tpu.memory_space<vmem>>) target_semaphore(%run_scoped3A_63 : memref<!tpu.dma_semaphore, #tpu.memory_space<semaphore_mem>>)
        %dma_wait3A_68 = arith.constant 0 : i32
        %dma_wait3A_69 = tpu.memref_slice %arg4[%add3A_30, %dma_wait3A_68] : memref<5120x64xi32, #tpu.memory_space<hbm>> -> memref<32x64xi32, #tpu.memory_space<hbm>>
        %dma_wait3A_70 = arith.constant 0 : i32
        %dma_wait3A_71 = tpu.memref_slice %arg4[%add3A_30, %dma_wait3A_70] : memref<5120x64xi32, #tpu.memory_space<hbm>> -> memref<32x64xi32, #tpu.memory_space<hbm>>
        tpu.wait_dma2 semaphore(%run_scoped3A_63 : memref<!tpu.dma_semaphore, #tpu.memory_space<semaphore_mem>>) src(%dma_wait3A_71 : memref<32x64xi32, #tpu.memory_space<hbm>>) dst(%arg8 : memref<32x64xi32, #tpu.memory_space<vmem>>)
        tpu.yield
      }) : () -> ()
      %dma_start3A = arith.constant 0 : i32
      %dma_start3A_31 = arith.constant 0 : i32
      %dma_start3A_32 = tpu.memref_slice %arg7[%dma_start3A, %dma_start3A_31] : memref<32x64xi32, #tpu.memory_space<vmem>> -> memref<1x64xi32, #tpu.memory_space<vmem>>
      %dma_start3A_33 = tpu.memref_squeeze %dma_start3A_32 : memref<1x64xi32, #tpu.memory_space<vmem>> -> memref<64xi32, #tpu.memory_space<vmem>>
      %dma_start3A_34 = arith.constant 0 : i32
      %dma_start3A_35 = arith.constant 0 : i32
      %dma_start3A_36 = tpu.memref_slice %arg2[%dma_start3A_34, %dma_start3A_35] : memref<10240x128xf32, #tpu.memory_space<hbm>> -> memref<10240x128xf32, #tpu.memory_space<hbm>>
      tpu.enqueue_indirect_dma source(%dma_start3A_36 : memref<10240x128xf32, #tpu.memory_space<hbm>>) target(%arg9 : memref<64x128xf32, #tpu.memory_space<vmem>>) offsets(%dma_start3A_33 : memref<64xi32, #tpu.memory_space<vmem>>) semaphore(%arg11 : memref<!tpu.dma_semaphore, #tpu.memory_space<semaphore_mem>>)
      %dma_start3A_37 = arith.constant 1 : i32
      %dma_start3A_38 = arith.constant 0 : i32
      %dma_start3A_39 = tpu.memref_slice %arg7[%dma_start3A_37, %dma_start3A_38] : memref<32x64xi32, #tpu.memory_space<vmem>> -> memref<1x64xi32, #tpu.memory_space<vmem>>
      %dma_start3A_40 = tpu.memref_squeeze %dma_start3A_39 : memref<1x64xi32, #tpu.memory_space<vmem>> -> memref<64xi32, #tpu.memory_space<vmem>>
      %dma_start3A_41 = arith.constant 0 : i32
      %dma_start3A_42 = arith.constant 0 : i32
      %dma_start3A_43 = tpu.memref_slice %arg2[%dma_start3A_41, %dma_start3A_42] : memref<10240x128xf32, #tpu.memory_space<hbm>> -> memref<10240x128xf32, #tpu.memory_space<hbm>>
      tpu.enqueue_indirect_dma source(%dma_start3A_43 : memref<10240x128xf32, #tpu.memory_space<hbm>>) target(%arg10 : memref<64x128xf32, #tpu.memory_space<vmem>>) offsets(%dma_start3A_40 : memref<64xi32, #tpu.memory_space<vmem>>) semaphore(%arg12 : memref<!tpu.dma_semaphore, #tpu.memory_space<semaphore_mem>>)
      %scan3A = arith.constant 0 : i32
      %scan3A_44 = arith.constant 0 : i32
      %scan3A_45 = arith.constant 15 : i32
      %scan3A_46 = arith.addi %scan3A_44, %scan3A_45 : i32
      %scan3A_47 = arith.constant 1 : i32
      scf.for %scan3A_63 = %scan3A_44 to %scan3A_46 step %scan3A_47  : i32 {
        %mul3A_64 = arith.constant 2 : i32
        %mul3A_65 = arith.muli %mul3A_64, %scan3A_63 : i32
        %add3A_66 = arith.constant 0 : i32
        %add3A_67 = arith.addi %mul3A_65, %add3A_66 : i32
        %dma_wait3A_68 = arith.constant 0 : i32
        %dma_wait3A_69 = tpu.memref_slice %arg7[%add3A_67, %dma_wait3A_68] : memref<32x64xi32, #tpu.memory_space<vmem>> -> memref<1x64xi32, #tpu.memory_space<vmem>>
        %dma_wait3A_70 = tpu.memref_squeeze %dma_wait3A_69 : memref<1x64xi32, #tpu.memory_space<vmem>> -> memref<64xi32, #tpu.memory_space<vmem>>
        %dma_wait3A_71 = arith.constant 0 : i32
        %dma_wait3A_72 = arith.constant 0 : i32
        %dma_wait3A_73 = tpu.memref_slice %arg2[%dma_wait3A_71, %dma_wait3A_72] : memref<10240x128xf32, #tpu.memory_space<hbm>> -> memref<10240x128xf32, #tpu.memory_space<hbm>>
        tpu.wait_indirect_dma semaphore(%arg11 : memref<!tpu.dma_semaphore, #tpu.memory_space<semaphore_mem>>) src(%dma_wait3A_73 : memref<10240x128xf32, #tpu.memory_space<hbm>>) dst(%arg9 : memref<64x128xf32, #tpu.memory_space<vmem>>)
        "tpu.region"() ({
          %run_scoped3A_100 = tpu.sem_alloc : memref<!tpu.dma_semaphore, #tpu.memory_space<semaphore_mem>>
          %dma_start3A_101 = arith.constant 0 : i32
          %dma_start3A_102 = tpu.memref_slice %arg8[%add3A_67, %dma_start3A_101] : memref<32x64xi32, #tpu.memory_space<vmem>> -> memref<1x64xi32, #tpu.memory_space<vmem>>
          %dma_start3A_103 = tpu.memref_squeeze %dma_start3A_102 : memref<1x64xi32, #tpu.memory_space<vmem>> -> memref<64xi32, #tpu.memory_space<vmem>>
          %dma_start3A_104 = arith.constant 0 : i32
          %dma_start3A_105 = arith.constant 0 : i32
          %dma_start3A_106 = tpu.memref_slice %arg13[%dma_start3A_104, %dma_start3A_105] : memref<10240x128xf32, #tpu.memory_space<vmem_shared>> -> memref<10240x128xf32, #tpu.memory_space<vmem_shared>>
          tpu.enqueue_indirect_dma source(%arg9 : memref<64x128xf32, #tpu.memory_space<vmem>>) target(%dma_start3A_106 : memref<10240x128xf32, #tpu.memory_space<vmem_shared>>) offsets(%dma_start3A_103 : memref<64xi32, #tpu.memory_space<vmem>>) semaphore(%run_scoped3A_100 : memref<!tpu.dma_semaphore, #tpu.memory_space<semaphore_mem>>) {add = true}
          %dma_wait3A_107 = arith.constant 0 : i32
          %dma_wait3A_108 = tpu.memref_slice %arg8[%add3A_67, %dma_wait3A_107] : memref<32x64xi32, #tpu.memory_space<vmem>> -> memref<1x64xi32, #tpu.memory_space<vmem>>
          %dma_wait3A_109 = tpu.memref_squeeze %dma_wait3A_108 : memref<1x64xi32, #tpu.memory_space<vmem>> -> memref<64xi32, #tpu.memory_space<vmem>>
          %dma_wait3A_110 = arith.constant 0 : i32
          %dma_wait3A_111 = arith.constant 0 : i32
          %dma_wait3A_112 = tpu.memref_slice %arg13[%dma_wait3A_110, %dma_wait3A_111] : memref<10240x128xf32, #tpu.memory_space<vmem_shared>> -> memref<10240x128xf32, #tpu.memory_space<vmem_shared>>
          tpu.wait_indirect_dma semaphore(%run_scoped3A_100 : memref<!tpu.dma_semaphore, #tpu.memory_space<semaphore_mem>>) src(%arg9 : memref<64x128xf32, #tpu.memory_space<vmem>>) dst(%dma_wait3A_112 : memref<10240x128xf32, #tpu.memory_space<vmem_shared>>)
          tpu.yield
        }) : () -> ()
        %add3A_74 = arith.constant 2 : i32
        %add3A_75 = arith.addi %add3A_67, %add3A_74 : i32
        %dma_start3A_76 = arith.constant 0 : i32
        %dma_start3A_77 = tpu.memref_slice %arg7[%add3A_75, %dma_start3A_76] : memref<32x64xi32, #tpu.memory_space<vmem>> -> memref<1x64xi32, #tpu.memory_space<vmem>>
        %dma_start3A_78 = tpu.memref_squeeze %dma_start3A_77 : memref<1x64xi32, #tpu.memory_space<vmem>> -> memref<64xi32, #tpu.memory_space<vmem>>
        %dma_start3A_79 = arith.constant 0 : i32
        %dma_start3A_80 = arith.constant 0 : i32
        %dma_start3A_81 = tpu.memref_slice %arg2[%dma_start3A_79, %dma_start3A_80] : memref<10240x128xf32, #tpu.memory_space<hbm>> -> memref<10240x128xf32, #tpu.memory_space<hbm>>
        tpu.enqueue_indirect_dma source(%dma_start3A_81 : memref<10240x128xf32, #tpu.memory_space<hbm>>) target(%arg9 : memref<64x128xf32, #tpu.memory_space<vmem>>) offsets(%dma_start3A_78 : memref<64xi32, #tpu.memory_space<vmem>>) semaphore(%arg11 : memref<!tpu.dma_semaphore, #tpu.memory_space<semaphore_mem>>)
        %mul3A_82 = arith.constant 2 : i32
        %mul3A_83 = arith.muli %mul3A_82, %scan3A_63 : i32
        %add3A_84 = arith.constant 1 : i32
        %add3A_85 = arith.addi %mul3A_83, %add3A_84 : i32
        %dma_wait3A_86 = arith.constant 0 : i32
        %dma_wait3A_87 = tpu.memref_slice %arg7[%add3A_85, %dma_wait3A_86] : memref<32x64xi32, #tpu.memory_space<vmem>> -> memref<1x64xi32, #tpu.memory_space<vmem>>
        %dma_wait3A_88 = tpu.memref_squeeze %dma_wait3A_87 : memref<1x64xi32, #tpu.memory_space<vmem>> -> memref<64xi32, #tpu.memory_space<vmem>>
        %dma_wait3A_89 = arith.constant 0 : i32
        %dma_wait3A_90 = arith.constant 0 : i32
        %dma_wait3A_91 = tpu.memref_slice %arg2[%dma_wait3A_89, %dma_wait3A_90] : memref<10240x128xf32, #tpu.memory_space<hbm>> -> memref<10240x128xf32, #tpu.memory_space<hbm>>
        tpu.wait_indirect_dma semaphore(%arg12 : memref<!tpu.dma_semaphore, #tpu.memory_space<semaphore_mem>>) src(%dma_wait3A_91 : memref<10240x128xf32, #tpu.memory_space<hbm>>) dst(%arg10 : memref<64x128xf32, #tpu.memory_space<vmem>>)
        "tpu.region"() ({
          %run_scoped3A_100 = tpu.sem_alloc : memref<!tpu.dma_semaphore, #tpu.memory_space<semaphore_mem>>
          %dma_start3A_101 = arith.constant 0 : i32
          %dma_start3A_102 = tpu.memref_slice %arg8[%add3A_85, %dma_start3A_101] : memref<32x64xi32, #tpu.memory_space<vmem>> -> memref<1x64xi32, #tpu.memory_space<vmem>>
          %dma_start3A_103 = tpu.memref_squeeze %dma_start3A_102 : memref<1x64xi32, #tpu.memory_space<vmem>> -> memref<64xi32, #tpu.memory_space<vmem>>
          %dma_start3A_104 = arith.constant 0 : i32
          %dma_start3A_105 = arith.constant 0 : i32
          %dma_start3A_106 = tpu.memref_slice %arg13[%dma_start3A_104, %dma_start3A_105] : memref<10240x128xf32, #tpu.memory_space<vmem_shared>> -> memref<10240x128xf32, #tpu.memory_space<vmem_shared>>
          tpu.enqueue_indirect_dma source(%arg10 : memref<64x128xf32, #tpu.memory_space<vmem>>) target(%dma_start3A_106 : memref<10240x128xf32, #tpu.memory_space<vmem_shared>>) offsets(%dma_start3A_103 : memref<64xi32, #tpu.memory_space<vmem>>) semaphore(%run_scoped3A_100 : memref<!tpu.dma_semaphore, #tpu.memory_space<semaphore_mem>>) {add = true}
          %dma_wait3A_107 = arith.constant 0 : i32
          %dma_wait3A_108 = tpu.memref_slice %arg8[%add3A_85, %dma_wait3A_107] : memref<32x64xi32, #tpu.memory_space<vmem>> -> memref<1x64xi32, #tpu.memory_space<vmem>>
          %dma_wait3A_109 = tpu.memref_squeeze %dma_wait3A_108 : memref<1x64xi32, #tpu.memory_space<vmem>> -> memref<64xi32, #tpu.memory_space<vmem>>
          %dma_wait3A_110 = arith.constant 0 : i32
          %dma_wait3A_111 = arith.constant 0 : i32
          %dma_wait3A_112 = tpu.memref_slice %arg13[%dma_wait3A_110, %dma_wait3A_111] : memref<10240x128xf32, #tpu.memory_space<vmem_shared>> -> memref<10240x128xf32, #tpu.memory_space<vmem_shared>>
          tpu.wait_indirect_dma semaphore(%run_scoped3A_100 : memref<!tpu.dma_semaphore, #tpu.memory_space<semaphore_mem>>) src(%arg10 : memref<64x128xf32, #tpu.memory_space<vmem>>) dst(%dma_wait3A_112 : memref<10240x128xf32, #tpu.memory_space<vmem_shared>>)
          tpu.yield
        }) : () -> ()
        %add3A_92 = arith.constant 2 : i32
        %add3A_93 = arith.addi %add3A_85, %add3A_92 : i32
        %dma_start3A_94 = arith.constant 0 : i32
        %dma_start3A_95 = tpu.memref_slice %arg7[%add3A_93, %dma_start3A_94] : memref<32x64xi32, #tpu.memory_space<vmem>> -> memref<1x64xi32, #tpu.memory_space<vmem>>
        %dma_start3A_96 = tpu.memref_squeeze %dma_start3A_95 : memref<1x64xi32, #tpu.memory_space<vmem>> -> memref<64xi32, #tpu.memory_space<vmem>>
        %dma_start3A_97 = arith.constant 0 : i32
        %dma_start3A_98 = arith.constant 0 : i32
        %dma_start3A_99 = tpu.memref_slice %arg2[%dma_start3A_97, %dma_start3A_98] : memref<10240x128xf32, #tpu.memory_space<hbm>> -> memref<10240x128xf32, #tpu.memory_space<hbm>>
        tpu.enqueue_indirect_dma source(%dma_start3A_99 : memref<10240x128xf32, #tpu.memory_space<hbm>>) target(%arg10 : memref<64x128xf32, #tpu.memory_space<vmem>>) offsets(%dma_start3A_96 : memref<64xi32, #tpu.memory_space<vmem>>) semaphore(%arg12 : memref<!tpu.dma_semaphore, #tpu.memory_space<semaphore_mem>>)
      }
      %scan3A_48 = arith.constant 15 : i32
      %dma_wait3A = arith.constant 30 : i32
      %dma_wait3A_49 = arith.constant 0 : i32
      %dma_wait3A_50 = tpu.memref_slice %arg7[%dma_wait3A, %dma_wait3A_49] : memref<32x64xi32, #tpu.memory_space<vmem>> -> memref<1x64xi32, #tpu.memory_space<vmem>>
      %dma_wait3A_51 = tpu.memref_squeeze %dma_wait3A_50 : memref<1x64xi32, #tpu.memory_space<vmem>> -> memref<64xi32, #tpu.memory_space<vmem>>
      %dma_wait3A_52 = arith.constant 0 : i32
      %dma_wait3A_53 = arith.constant 0 : i32
      %dma_wait3A_54 = tpu.memref_slice %arg2[%dma_wait3A_52, %dma_wait3A_53] : memref<10240x128xf32, #tpu.memory_space<hbm>> -> memref<10240x128xf32, #tpu.memory_space<hbm>>
      tpu.wait_indirect_dma semaphore(%arg11 : memref<!tpu.dma_semaphore, #tpu.memory_space<semaphore_mem>>) src(%dma_wait3A_54 : memref<10240x128xf32, #tpu.memory_space<hbm>>) dst(%arg9 : memref<64x128xf32, #tpu.memory_space<vmem>>)
      %run_scoped3A = arith.constant 30 : i32
      "tpu.region"() ({
        %run_scoped3A_63 = tpu.sem_alloc : memref<!tpu.dma_semaphore, #tpu.memory_space<semaphore_mem>>
        %dma_start3A_64 = arith.constant 0 : i32
        %dma_start3A_65 = tpu.memref_slice %arg8[%run_scoped3A, %dma_start3A_64] : memref<32x64xi32, #tpu.memory_space<vmem>> -> memref<1x64xi32, #tpu.memory_space<vmem>>
        %dma_start3A_66 = tpu.memref_squeeze %dma_start3A_65 : memref<1x64xi32, #tpu.memory_space<vmem>> -> memref<64xi32, #tpu.memory_space<vmem>>
        %dma_start3A_67 = arith.constant 0 : i32
        %dma_start3A_68 = arith.constant 0 : i32
        %dma_start3A_69 = tpu.memref_slice %arg13[%dma_start3A_67, %dma_start3A_68] : memref<10240x128xf32, #tpu.memory_space<vmem_shared>> -> memref<10240x128xf32, #tpu.memory_space<vmem_shared>>
        tpu.enqueue_indirect_dma source(%arg9 : memref<64x128xf32, #tpu.memory_space<vmem>>) target(%dma_start3A_69 : memref<10240x128xf32, #tpu.memory_space<vmem_shared>>) offsets(%dma_start3A_66 : memref<64xi32, #tpu.memory_space<vmem>>) semaphore(%run_scoped3A_63 : memref<!tpu.dma_semaphore, #tpu.memory_space<semaphore_mem>>) {add = true}
        %dma_wait3A_70 = arith.constant 0 : i32
        %dma_wait3A_71 = tpu.memref_slice %arg8[%run_scoped3A, %dma_wait3A_70] : memref<32x64xi32, #tpu.memory_space<vmem>> -> memref<1x64xi32, #tpu.memory_space<vmem>>
        %dma_wait3A_72 = tpu.memref_squeeze %dma_wait3A_71 : memref<1x64xi32, #tpu.memory_space<vmem>> -> memref<64xi32, #tpu.memory_space<vmem>>
        %dma_wait3A_73 = arith.constant 0 : i32
        %dma_wait3A_74 = arith.constant 0 : i32
        %dma_wait3A_75 = tpu.memref_slice %arg13[%dma_wait3A_73, %dma_wait3A_74] : memref<10240x128xf32, #tpu.memory_space<vmem_shared>> -> memref<10240x128xf32, #tpu.memory_space<vmem_shared>>
        tpu.wait_indirect_dma semaphore(%run_scoped3A_63 : memref<!tpu.dma_semaphore, #tpu.memory_space<semaphore_mem>>) src(%arg9 : memref<64x128xf32, #tpu.memory_space<vmem>>) dst(%dma_wait3A_75 : memref<10240x128xf32, #tpu.memory_space<vmem_shared>>)
        tpu.yield
      }) : () -> ()
      %dma_wait3A_55 = arith.constant 31 : i32
      %dma_wait3A_56 = arith.constant 0 : i32
      %dma_wait3A_57 = tpu.memref_slice %arg7[%dma_wait3A_55, %dma_wait3A_56] : memref<32x64xi32, #tpu.memory_space<vmem>> -> memref<1x64xi32, #tpu.memory_space<vmem>>
      %dma_wait3A_58 = tpu.memref_squeeze %dma_wait3A_57 : memref<1x64xi32, #tpu.memory_space<vmem>> -> memref<64xi32, #tpu.memory_space<vmem>>
      %dma_wait3A_59 = arith.constant 0 : i32
      %dma_wait3A_60 = arith.constant 0 : i32
      %dma_wait3A_61 = tpu.memref_slice %arg2[%dma_wait3A_59, %dma_wait3A_60] : memref<10240x128xf32, #tpu.memory_space<hbm>> -> memref<10240x128xf32, #tpu.memory_space<hbm>>
      tpu.wait_indirect_dma semaphore(%arg12 : memref<!tpu.dma_semaphore, #tpu.memory_space<semaphore_mem>>) src(%dma_wait3A_61 : memref<10240x128xf32, #tpu.memory_space<hbm>>) dst(%arg10 : memref<64x128xf32, #tpu.memory_space<vmem>>)
      %run_scoped3A_62 = arith.constant 31 : i32
      "tpu.region"() ({
        %run_scoped3A_63 = tpu.sem_alloc : memref<!tpu.dma_semaphore, #tpu.memory_space<semaphore_mem>>
        %dma_start3A_64 = arith.constant 0 : i32
        %dma_start3A_65 = tpu.memref_slice %arg8[%run_scoped3A_62, %dma_start3A_64] : memref<32x64xi32, #tpu.memory_space<vmem>> -> memref<1x64xi32, #tpu.memory_space<vmem>>
        %dma_start3A_66 = tpu.memref_squeeze %dma_start3A_65 : memref<1x64xi32, #tpu.memory_space<vmem>> -> memref<64xi32, #tpu.memory_space<vmem>>
        %dma_start3A_67 = arith.constant 0 : i32
        %dma_start3A_68 = arith.constant 0 : i32
        %dma_start3A_69 = tpu.memref_slice %arg13[%dma_start3A_67, %dma_start3A_68] : memref<10240x128xf32, #tpu.memory_space<vmem_shared>> -> memref<10240x128xf32, #tpu.memory_space<vmem_shared>>
        tpu.enqueue_indirect_dma source(%arg10 : memref<64x128xf32, #tpu.memory_space<vmem>>) target(%dma_start3A_69 : memref<10240x128xf32, #tpu.memory_space<vmem_shared>>) offsets(%dma_start3A_66 : memref<64xi32, #tpu.memory_space<vmem>>) semaphore(%run_scoped3A_63 : memref<!tpu.dma_semaphore, #tpu.memory_space<semaphore_mem>>) {add = true}
        %dma_wait3A_70 = arith.constant 0 : i32
        %dma_wait3A_71 = tpu.memref_slice %arg8[%run_scoped3A_62, %dma_wait3A_70] : memref<32x64xi32, #tpu.memory_space<vmem>> -> memref<1x64xi32, #tpu.memory_space<vmem>>
        %dma_wait3A_72 = tpu.memref_squeeze %dma_wait3A_71 : memref<1x64xi32, #tpu.memory_space<vmem>> -> memref<64xi32, #tpu.memory_space<vmem>>
        %dma_wait3A_73 = arith.constant 0 : i32
        %dma_wait3A_74 = arith.constant 0 : i32
        %dma_wait3A_75 = tpu.memref_slice %arg13[%dma_wait3A_73, %dma_wait3A_74] : memref<10240x128xf32, #tpu.memory_space<vmem_shared>> -> memref<10240x128xf32, #tpu.memory_space<vmem_shared>>
        tpu.wait_indirect_dma semaphore(%run_scoped3A_63 : memref<!tpu.dma_semaphore, #tpu.memory_space<semaphore_mem>>) src(%arg10 : memref<64x128xf32, #tpu.memory_space<vmem>>) dst(%dma_wait3A_75 : memref<10240x128xf32, #tpu.memory_space<vmem_shared>>)
        tpu.yield
      }) : () -> ()
    }
    %while3A_21 = arith.constant 1 : i32
    scf.for %while3A_27 = %while3A_19 to %while3A_15 step %while3A_21  : i32 {
      %mul3A_28 = arith.constant 32 : i32
      %mul3A_29 = arith.muli %while3A_27, %mul3A_28 : i32
      %add3A_30 = arith.addi %select_n3A_12, %mul3A_29 : i32
      "tpu.region"() ({
        %run_scoped3A_63 = tpu.sem_alloc : memref<!tpu.dma_semaphore, #tpu.memory_space<semaphore_mem>>
        %dma_start3A_64 = arith.constant 0 : i32
        %dma_start3A_65 = tpu.memref_slice %arg3[%add3A_30, %dma_start3A_64] : memref<5120x64xi32, #tpu.memory_space<hbm>> -> memref<32x64xi32, #tpu.memory_space<hbm>>
        %dma_start3A_66 = arith.constant 0 : i32
        %dma_start3A_67 = tpu.memref_slice %arg3[%add3A_30, %dma_start3A_66] : memref<5120x64xi32, #tpu.memory_space<hbm>> -> memref<32x64xi32, #tpu.memory_space<hbm>>
        tpu.enqueue_dma source(%dma_start3A_67 : memref<32x64xi32, #tpu.memory_space<hbm>>) target(%arg7 : memref<32x64xi32, #tpu.memory_space<vmem>>) target_semaphore(%run_scoped3A_63 : memref<!tpu.dma_semaphore, #tpu.memory_space<semaphore_mem>>)
        %dma_wait3A_68 = arith.constant 0 : i32
        %dma_wait3A_69 = tpu.memref_slice %arg3[%add3A_30, %dma_wait3A_68] : memref<5120x64xi32, #tpu.memory_space<hbm>> -> memref<32x64xi32, #tpu.memory_space<hbm>>
        %dma_wait3A_70 = arith.constant 0 : i32
        %dma_wait3A_71 = tpu.memref_slice %arg3[%add3A_30, %dma_wait3A_70] : memref<5120x64xi32, #tpu.memory_space<hbm>> -> memref<32x64xi32, #tpu.memory_space<hbm>>
        tpu.wait_dma2 semaphore(%run_scoped3A_63 : memref<!tpu.dma_semaphore, #tpu.memory_space<semaphore_mem>>) src(%dma_wait3A_71 : memref<32x64xi32, #tpu.memory_space<hbm>>) dst(%arg7 : memref<32x64xi32, #tpu.memory_space<vmem>>)
        tpu.yield
      }) : () -> ()
      "tpu.region"() ({
        %run_scoped3A_63 = tpu.sem_alloc : memref<!tpu.dma_semaphore, #tpu.memory_space<semaphore_mem>>
        %dma_start3A_64 = arith.constant 0 : i32
        %dma_start3A_65 = tpu.memref_slice %arg4[%add3A_30, %dma_start3A_64] : memref<5120x64xi32, #tpu.memory_space<hbm>> -> memref<32x64xi32, #tpu.memory_space<hbm>>
        %dma_start3A_66 = arith.constant 0 : i32
        %dma_start3A_67 = tpu.memref_slice %arg4[%add3A_30, %dma_start3A_66] : memref<5120x64xi32, #tpu.memory_space<hbm>> -> memref<32x64xi32, #tpu.memory_space<hbm>>
        tpu.enqueue_dma source(%dma_start3A_67 : memref<32x64xi32, #tpu.memory_space<hbm>>) target(%arg8 : memref<32x64xi32, #tpu.memory_space<vmem>>) target_semaphore(%run_scoped3A_63 : memref<!tpu.dma_semaphore, #tpu.memory_space<semaphore_mem>>)
        %dma_wait3A_68 = arith.constant 0 : i32
        %dma_wait3A_69 = tpu.memref_slice %arg4[%add3A_30, %dma_wait3A_68] : memref<5120x64xi32, #tpu.memory_space<hbm>> -> memref<32x64xi32, #tpu.memory_space<hbm>>
        %dma_wait3A_70 = arith.constant 0 : i32
        %dma_wait3A_71 = tpu.memref_slice %arg4[%add3A_30, %dma_wait3A_70] : memref<5120x64xi32, #tpu.memory_space<hbm>> -> memref<32x64xi32, #tpu.memory_space<hbm>>
        tpu.wait_dma2 semaphore(%run_scoped3A_63 : memref<!tpu.dma_semaphore, #tpu.memory_space<semaphore_mem>>) src(%dma_wait3A_71 : memref<32x64xi32, #tpu.memory_space<hbm>>) dst(%arg8 : memref<32x64xi32, #tpu.memory_space<vmem>>)
        tpu.yield
      }) : () -> ()
      %dma_start3A = arith.constant 0 : i32
      %dma_start3A_31 = arith.constant 0 : i32
      %dma_start3A_32 = tpu.memref_slice %arg7[%dma_start3A, %dma_start3A_31] : memref<32x64xi32, #tpu.memory_space<vmem>> -> memref<1x64xi32, #tpu.memory_space<vmem>>
      %dma_start3A_33 = tpu.memref_squeeze %dma_start3A_32 : memref<1x64xi32, #tpu.memory_space<vmem>> -> memref<64xi32, #tpu.memory_space<vmem>>
      %dma_start3A_34 = arith.constant 0 : i32
      %dma_start3A_35 = arith.constant 0 : i32
      %dma_start3A_36 = tpu.memref_slice %arg2[%dma_start3A_34, %dma_start3A_35] : memref<10240x128xf32, #tpu.memory_space<hbm>> -> memref<10240x128xf32, #tpu.memory_space<hbm>>
      tpu.enqueue_indirect_dma source(%dma_start3A_36 : memref<10240x128xf32, #tpu.memory_space<hbm>>) target(%arg9 : memref<64x128xf32, #tpu.memory_space<vmem>>) offsets(%dma_start3A_33 : memref<64xi32, #tpu.memory_space<vmem>>) semaphore(%arg11 : memref<!tpu.dma_semaphore, #tpu.memory_space<semaphore_mem>>)
      %dma_start3A_37 = arith.constant 1 : i32
      %dma_start3A_38 = arith.constant 0 : i32
      %dma_start3A_39 = tpu.memref_slice %arg7[%dma_start3A_37, %dma_start3A_38] : memref<32x64xi32, #tpu.memory_space<vmem>> -> memref<1x64xi32, #tpu.memory_space<vmem>>
      %dma_start3A_40 = tpu.memref_squeeze %dma_start3A_39 : memref<1x64xi32, #tpu.memory_space<vmem>> -> memref<64xi32, #tpu.memory_space<vmem>>
      %dma_start3A_41 = arith.constant 0 : i32
      %dma_start3A_42 = arith.constant 0 : i32
      %dma_start3A_43 = tpu.memref_slice %arg2[%dma_start3A_41, %dma_start3A_42] : memref<10240x128xf32, #tpu.memory_space<hbm>> -> memref<10240x128xf32, #tpu.memory_space<hbm>>
      tpu.enqueue_indirect_dma source(%dma_start3A_43 : memref<10240x128xf32, #tpu.memory_space<hbm>>) target(%arg10 : memref<64x128xf32, #tpu.memory_space<vmem>>) offsets(%dma_start3A_40 : memref<64xi32, #tpu.memory_space<vmem>>) semaphore(%arg12 : memref<!tpu.dma_semaphore, #tpu.memory_space<semaphore_mem>>)
      %scan3A = arith.constant 0 : i32
      %scan3A_44 = arith.constant 0 : i32
      %scan3A_45 = arith.constant 15 : i32
      %scan3A_46 = arith.addi %scan3A_44, %scan3A_45 : i32
      %scan3A_47 = arith.constant 1 : i32
      scf.for %scan3A_63 = %scan3A_44 to %scan3A_46 step %scan3A_47  : i32 {
        %mul3A_64 = arith.constant 2 : i32
        %mul3A_65 = arith.muli %mul3A_64, %scan3A_63 : i32
        %add3A_66 = arith.constant 0 : i32
        %add3A_67 = arith.addi %mul3A_65, %add3A_66 : i32
        %dma_wait3A_68 = arith.constant 0 : i32
        %dma_wait3A_69 = tpu.memref_slice %arg7[%add3A_67, %dma_wait3A_68] : memref<32x64xi32, #tpu.memory_space<vmem>> -> memref<1x64xi32, #tpu.memory_space<vmem>>
        %dma_wait3A_70 = tpu.memref_squeeze %dma_wait3A_69 : memref<1x64xi32, #tpu.memory_space<vmem>> -> memref<64xi32, #tpu.memory_space<vmem>>
        %dma_wait3A_71 = arith.constant 0 : i32
        %dma_wait3A_72 = arith.constant 0 : i32
        %dma_wait3A_73 = tpu.memref_slice %arg2[%dma_wait3A_71, %dma_wait3A_72] : memref<10240x128xf32, #tpu.memory_space<hbm>> -> memref<10240x128xf32, #tpu.memory_space<hbm>>
        tpu.wait_indirect_dma semaphore(%arg11 : memref<!tpu.dma_semaphore, #tpu.memory_space<semaphore_mem>>) src(%dma_wait3A_73 : memref<10240x128xf32, #tpu.memory_space<hbm>>) dst(%arg9 : memref<64x128xf32, #tpu.memory_space<vmem>>)
        "tpu.region"() ({
          %run_scoped3A_100 = tpu.sem_alloc : memref<!tpu.dma_semaphore, #tpu.memory_space<semaphore_mem>>
          %dma_start3A_101 = arith.constant 0 : i32
          %dma_start3A_102 = tpu.memref_slice %arg8[%add3A_67, %dma_start3A_101] : memref<32x64xi32, #tpu.memory_space<vmem>> -> memref<1x64xi32, #tpu.memory_space<vmem>>
          %dma_start3A_103 = tpu.memref_squeeze %dma_start3A_102 : memref<1x64xi32, #tpu.memory_space<vmem>> -> memref<64xi32, #tpu.memory_space<vmem>>
          %dma_start3A_104 = arith.constant 0 : i32
          %dma_start3A_105 = arith.constant 0 : i32
          %dma_start3A_106 = tpu.memref_slice %arg13[%dma_start3A_104, %dma_start3A_105] : memref<10240x128xf32, #tpu.memory_space<vmem_shared>> -> memref<10240x128xf32, #tpu.memory_space<vmem_shared>>
          tpu.enqueue_indirect_dma source(%arg9 : memref<64x128xf32, #tpu.memory_space<vmem>>) target(%dma_start3A_106 : memref<10240x128xf32, #tpu.memory_space<vmem_shared>>) offsets(%dma_start3A_103 : memref<64xi32, #tpu.memory_space<vmem>>) semaphore(%run_scoped3A_100 : memref<!tpu.dma_semaphore, #tpu.memory_space<semaphore_mem>>) {add = true}
          %dma_wait3A_107 = arith.constant 0 : i32
          %dma_wait3A_108 = tpu.memref_slice %arg8[%add3A_67, %dma_wait3A_107] : memref<32x64xi32, #tpu.memory_space<vmem>> -> memref<1x64xi32, #tpu.memory_space<vmem>>
          %dma_wait3A_109 = tpu.memref_squeeze %dma_wait3A_108 : memref<1x64xi32, #tpu.memory_space<vmem>> -> memref<64xi32, #tpu.memory_space<vmem>>
          %dma_wait3A_110 = arith.constant 0 : i32
          %dma_wait3A_111 = arith.constant 0 : i32
          %dma_wait3A_112 = tpu.memref_slice %arg13[%dma_wait3A_110, %dma_wait3A_111] : memref<10240x128xf32, #tpu.memory_space<vmem_shared>> -> memref<10240x128xf32, #tpu.memory_space<vmem_shared>>
          tpu.wait_indirect_dma semaphore(%run_scoped3A_100 : memref<!tpu.dma_semaphore, #tpu.memory_space<semaphore_mem>>) src(%arg9 : memref<64x128xf32, #tpu.memory_space<vmem>>) dst(%dma_wait3A_112 : memref<10240x128xf32, #tpu.memory_space<vmem_shared>>)
          tpu.yield
        }) : () -> ()
        %add3A_74 = arith.constant 2 : i32
        %add3A_75 = arith.addi %add3A_67, %add3A_74 : i32
        %dma_start3A_76 = arith.constant 0 : i32
        %dma_start3A_77 = tpu.memref_slice %arg7[%add3A_75, %dma_start3A_76] : memref<32x64xi32, #tpu.memory_space<vmem>> -> memref<1x64xi32, #tpu.memory_space<vmem>>
        %dma_start3A_78 = tpu.memref_squeeze %dma_start3A_77 : memref<1x64xi32, #tpu.memory_space<vmem>> -> memref<64xi32, #tpu.memory_space<vmem>>
        %dma_start3A_79 = arith.constant 0 : i32
        %dma_start3A_80 = arith.constant 0 : i32
        %dma_start3A_81 = tpu.memref_slice %arg2[%dma_start3A_79, %dma_start3A_80] : memref<10240x128xf32, #tpu.memory_space<hbm>> -> memref<10240x128xf32, #tpu.memory_space<hbm>>
        tpu.enqueue_indirect_dma source(%dma_start3A_81 : memref<10240x128xf32, #tpu.memory_space<hbm>>) target(%arg9 : memref<64x128xf32, #tpu.memory_space<vmem>>) offsets(%dma_start3A_78 : memref<64xi32, #tpu.memory_space<vmem>>) semaphore(%arg11 : memref<!tpu.dma_semaphore, #tpu.memory_space<semaphore_mem>>)
        %mul3A_82 = arith.constant 2 : i32
        %mul3A_83 = arith.muli %mul3A_82, %scan3A_63 : i32
        %add3A_84 = arith.constant 1 : i32
        %add3A_85 = arith.addi %mul3A_83, %add3A_84 : i32
        %dma_wait3A_86 = arith.constant 0 : i32
        %dma_wait3A_87 = tpu.memref_slice %arg7[%add3A_85, %dma_wait3A_86] : memref<32x64xi32, #tpu.memory_space<vmem>> -> memref<1x64xi32, #tpu.memory_space<vmem>>
        %dma_wait3A_88 = tpu.memref_squeeze %dma_wait3A_87 : memref<1x64xi32, #tpu.memory_space<vmem>> -> memref<64xi32, #tpu.memory_space<vmem>>
        %dma_wait3A_89 = arith.constant 0 : i32
        %dma_wait3A_90 = arith.constant 0 : i32
        %dma_wait3A_91 = tpu.memref_slice %arg2[%dma_wait3A_89, %dma_wait3A_90] : memref<10240x128xf32, #tpu.memory_space<hbm>> -> memref<10240x128xf32, #tpu.memory_space<hbm>>
        tpu.wait_indirect_dma semaphore(%arg12 : memref<!tpu.dma_semaphore, #tpu.memory_space<semaphore_mem>>) src(%dma_wait3A_91 : memref<10240x128xf32, #tpu.memory_space<hbm>>) dst(%arg10 : memref<64x128xf32, #tpu.memory_space<vmem>>)
        "tpu.region"() ({
          %run_scoped3A_100 = tpu.sem_alloc : memref<!tpu.dma_semaphore, #tpu.memory_space<semaphore_mem>>
          %dma_start3A_101 = arith.constant 0 : i32
          %dma_start3A_102 = tpu.memref_slice %arg8[%add3A_85, %dma_start3A_101] : memref<32x64xi32, #tpu.memory_space<vmem>> -> memref<1x64xi32, #tpu.memory_space<vmem>>
          %dma_start3A_103 = tpu.memref_squeeze %dma_start3A_102 : memref<1x64xi32, #tpu.memory_space<vmem>> -> memref<64xi32, #tpu.memory_space<vmem>>
          %dma_start3A_104 = arith.constant 0 : i32
          %dma_start3A_105 = arith.constant 0 : i32
          %dma_start3A_106 = tpu.memref_slice %arg13[%dma_start3A_104, %dma_start3A_105] : memref<10240x128xf32, #tpu.memory_space<vmem_shared>> -> memref<10240x128xf32, #tpu.memory_space<vmem_shared>>
          tpu.enqueue_indirect_dma source(%arg10 : memref<64x128xf32, #tpu.memory_space<vmem>>) target(%dma_start3A_106 : memref<10240x128xf32, #tpu.memory_space<vmem_shared>>) offsets(%dma_start3A_103 : memref<64xi32, #tpu.memory_space<vmem>>) semaphore(%run_scoped3A_100 : memref<!tpu.dma_semaphore, #tpu.memory_space<semaphore_mem>>) {add = true}
          %dma_wait3A_107 = arith.constant 0 : i32
          %dma_wait3A_108 = tpu.memref_slice %arg8[%add3A_85, %dma_wait3A_107] : memref<32x64xi32, #tpu.memory_space<vmem>> -> memref<1x64xi32, #tpu.memory_space<vmem>>
          %dma_wait3A_109 = tpu.memref_squeeze %dma_wait3A_108 : memref<1x64xi32, #tpu.memory_space<vmem>> -> memref<64xi32, #tpu.memory_space<vmem>>
          %dma_wait3A_110 = arith.constant 0 : i32
          %dma_wait3A_111 = arith.constant 0 : i32
          %dma_wait3A_112 = tpu.memref_slice %arg13[%dma_wait3A_110, %dma_wait3A_111] : memref<10240x128xf32, #tpu.memory_space<vmem_shared>> -> memref<10240x128xf32, #tpu.memory_space<vmem_shared>>
          tpu.wait_indirect_dma semaphore(%run_scoped3A_100 : memref<!tpu.dma_semaphore, #tpu.memory_space<semaphore_mem>>) src(%arg10 : memref<64x128xf32, #tpu.memory_space<vmem>>) dst(%dma_wait3A_112 : memref<10240x128xf32, #tpu.memory_space<vmem_shared>>)
          tpu.yield
        }) : () -> ()
        %add3A_92 = arith.constant 2 : i32
        %add3A_93 = arith.addi %add3A_85, %add3A_92 : i32
        %dma_start3A_94 = arith.constant 0 : i32
        %dma_start3A_95 = tpu.memref_slice %arg7[%add3A_93, %dma_start3A_94] : memref<32x64xi32, #tpu.memory_space<vmem>> -> memref<1x64xi32, #tpu.memory_space<vmem>>
        %dma_start3A_96 = tpu.memref_squeeze %dma_start3A_95 : memref<1x64xi32, #tpu.memory_space<vmem>> -> memref<64xi32, #tpu.memory_space<vmem>>
        %dma_start3A_97 = arith.constant 0 : i32
        %dma_start3A_98 = arith.constant 0 : i32
        %dma_start3A_99 = tpu.memref_slice %arg2[%dma_start3A_97, %dma_start3A_98] : memref<10240x128xf32, #tpu.memory_space<hbm>> -> memref<10240x128xf32, #tpu.memory_space<hbm>>
        tpu.enqueue_indirect_dma source(%dma_start3A_99 : memref<10240x128xf32, #tpu.memory_space<hbm>>) target(%arg10 : memref<64x128xf32, #tpu.memory_space<vmem>>) offsets(%dma_start3A_96 : memref<64xi32, #tpu.memory_space<vmem>>) semaphore(%arg12 : memref<!tpu.dma_semaphore, #tpu.memory_space<semaphore_mem>>)
      }
      %scan3A_48 = arith.constant 15 : i32
      %dma_wait3A = arith.constant 30 : i32
      %dma_wait3A_49 = arith.constant 0 : i32
      %dma_wait3A_50 = tpu.memref_slice %arg7[%dma_wait3A, %dma_wait3A_49] : memref<32x64xi32, #tpu.memory_space<vmem>> -> memref<1x64xi32, #tpu.memory_space<vmem>>
      %dma_wait3A_51 = tpu.memref_squeeze %dma_wait3A_50 : memref<1x64xi32, #tpu.memory_space<vmem>> -> memref<64xi32, #tpu.memory_space<vmem>>
      %dma_wait3A_52 = arith.constant 0 : i32
      %dma_wait3A_53 = arith.constant 0 : i32
      %dma_wait3A_54 = tpu.memref_slice %arg2[%dma_wait3A_52, %dma_wait3A_53] : memref<10240x128xf32, #tpu.memory_space<hbm>> -> memref<10240x128xf32, #tpu.memory_space<hbm>>
      tpu.wait_indirect_dma semaphore(%arg11 : memref<!tpu.dma_semaphore, #tpu.memory_space<semaphore_mem>>) src(%dma_wait3A_54 : memref<10240x128xf32, #tpu.memory_space<hbm>>) dst(%arg9 : memref<64x128xf32, #tpu.memory_space<vmem>>)
      %run_scoped3A = arith.constant 30 : i32
      "tpu.region"() ({
        %run_scoped3A_63 = tpu.sem_alloc : memref<!tpu.dma_semaphore, #tpu.memory_space<semaphore_mem>>
        %dma_start3A_64 = arith.constant 0 : i32
        %dma_start3A_65 = tpu.memref_slice %arg8[%run_scoped3A, %dma_start3A_64] : memref<32x64xi32, #tpu.memory_space<vmem>> -> memref<1x64xi32, #tpu.memory_space<vmem>>
        %dma_start3A_66 = tpu.memref_squeeze %dma_start3A_65 : memref<1x64xi32, #tpu.memory_space<vmem>> -> memref<64xi32, #tpu.memory_space<vmem>>
        %dma_start3A_67 = arith.constant 0 : i32
        %dma_start3A_68 = arith.constant 0 : i32
        %dma_start3A_69 = tpu.memref_slice %arg13[%dma_start3A_67, %dma_start3A_68] : memref<10240x128xf32, #tpu.memory_space<vmem_shared>> -> memref<10240x128xf32, #tpu.memory_space<vmem_shared>>
        tpu.enqueue_indirect_dma source(%arg9 : memref<64x128xf32, #tpu.memory_space<vmem>>) target(%dma_start3A_69 : memref<10240x128xf32, #tpu.memory_space<vmem_shared>>) offsets(%dma_start3A_66 : memref<64xi32, #tpu.memory_space<vmem>>) semaphore(%run_scoped3A_63 : memref<!tpu.dma_semaphore, #tpu.memory_space<semaphore_mem>>) {add = true}
        %dma_wait3A_70 = arith.constant 0 : i32
        %dma_wait3A_71 = tpu.memref_slice %arg8[%run_scoped3A, %dma_wait3A_70] : memref<32x64xi32, #tpu.memory_space<vmem>> -> memref<1x64xi32, #tpu.memory_space<vmem>>
        %dma_wait3A_72 = tpu.memref_squeeze %dma_wait3A_71 : memref<1x64xi32, #tpu.memory_space<vmem>> -> memref<64xi32, #tpu.memory_space<vmem>>
        %dma_wait3A_73 = arith.constant 0 : i32
        %dma_wait3A_74 = arith.constant 0 : i32
        %dma_wait3A_75 = tpu.memref_slice %arg13[%dma_wait3A_73, %dma_wait3A_74] : memref<10240x128xf32, #tpu.memory_space<vmem_shared>> -> memref<10240x128xf32, #tpu.memory_space<vmem_shared>>
        tpu.wait_indirect_dma semaphore(%run_scoped3A_63 : memref<!tpu.dma_semaphore, #tpu.memory_space<semaphore_mem>>) src(%arg9 : memref<64x128xf32, #tpu.memory_space<vmem>>) dst(%dma_wait3A_75 : memref<10240x128xf32, #tpu.memory_space<vmem_shared>>)
        tpu.yield
      }) : () -> ()
      %dma_wait3A_55 = arith.constant 31 : i32
      %dma_wait3A_56 = arith.constant 0 : i32
      %dma_wait3A_57 = tpu.memref_slice %arg7[%dma_wait3A_55, %dma_wait3A_56] : memref<32x64xi32, #tpu.memory_space<vmem>> -> memref<1x64xi32, #tpu.memory_space<vmem>>
      %dma_wait3A_58 = tpu.memref_squeeze %dma_wait3A_57 : memref<1x64xi32, #tpu.memory_space<vmem>> -> memref<64xi32, #tpu.memory_space<vmem>>
      %dma_wait3A_59 = arith.constant 0 : i32
      %dma_wait3A_60 = arith.constant 0 : i32
      %dma_wait3A_61 = tpu.memref_slice %arg2[%dma_wait3A_59, %dma_wait3A_60] : memref<10240x128xf32, #tpu.memory_space<hbm>> -> memref<10240x128xf32, #tpu.memory_space<hbm>>
      tpu.wait_indirect_dma semaphore(%arg12 : memref<!tpu.dma_semaphore, #tpu.memory_space<semaphore_mem>>) src(%dma_wait3A_61 : memref<10240x128xf32, #tpu.memory_space<hbm>>) dst(%arg10 : memref<64x128xf32, #tpu.memory_space<vmem>>)
      %run_scoped3A_62 = arith.constant 31 : i32
      "tpu.region"() ({
        %run_scoped3A_63 = tpu.sem_alloc : memref<!tpu.dma_semaphore, #tpu.memory_space<semaphore_mem>>
        %dma_start3A_64 = arith.constant 0 : i32
        %dma_start3A_65 = tpu.memref_slice %arg8[%run_scoped3A_62, %dma_start3A_64] : memref<32x64xi32, #tpu.memory_space<vmem>> -> memref<1x64xi32, #tpu.memory_space<vmem>>
        %dma_start3A_66 = tpu.memref_squeeze %dma_start3A_65 : memref<1x64xi32, #tpu.memory_space<vmem>> -> memref<64xi32, #tpu.memory_space<vmem>>
        %dma_start3A_67 = arith.constant 0 : i32
        %dma_start3A_68 = arith.constant 0 : i32
        %dma_start3A_69 = tpu.memref_slice %arg13[%dma_start3A_67, %dma_start3A_68] : memref<10240x128xf32, #tpu.memory_space<vmem_shared>> -> memref<10240x128xf32, #tpu.memory_space<vmem_shared>>
        tpu.enqueue_indirect_dma source(%arg10 : memref<64x128xf32, #tpu.memory_space<vmem>>) target(%dma_start3A_69 : memref<10240x128xf32, #tpu.memory_space<vmem_shared>>) offsets(%dma_start3A_66 : memref<64xi32, #tpu.memory_space<vmem>>) semaphore(%run_scoped3A_63 : memref<!tpu.dma_semaphore, #tpu.memory_space<semaphore_mem>>) {add = true}
        %dma_wait3A_70 = arith.constant 0 : i32
        %dma_wait3A_71 = tpu.memref_slice %arg8[%run_scoped3A_62, %dma_wait3A_70] : memref<32x64xi32, #tpu.memory_space<vmem>> -> memref<1x64xi32, #tpu.memory_space<vmem>>
        %dma_wait3A_72 = tpu.memref_squeeze %dma_wait3A_71 : memref<1x64xi32, #tpu.memory_space<vmem>> -> memref<64xi32, #tpu.memory_space<vmem>>
        %dma_wait3A_73 = arith.constant 0 : i32
        %dma_wait3A_74 = arith.constant 0 : i32
        %dma_wait3A_75 = tpu.memref_slice %arg13[%dma_wait3A_73, %dma_wait3A_74] : memref<10240x128xf32, #tpu.memory_space<vmem_shared>> -> memref<10240x128xf32, #tpu.memory_space<vmem_shared>>
        tpu.wait_indirect_dma semaphore(%run_scoped3A_63 : memref<!tpu.dma_semaphore, #tpu.memory_space<semaphore_mem>>) src(%arg10 : memref<64x128xf32, #tpu.memory_space<vmem>>) dst(%dma_wait3A_75 : memref<10240x128xf32, #tpu.memory_space<vmem_shared>>)
        tpu.yield
      }) : () -> ()
    }
    %barrier3A_22 = arith.constant 0 : index
    tpu.barrier barrier_id(%barrier3A_22)
    %mul3A_23 = arith.constant 640 : i32
    %mul3A_24 = arith.muli %arg1, %mul3A_23 : i32
    %mul3A_25 = arith.constant 640 : i32
    %mul3A_26 = arith.muli %arg1, %mul3A_25 : i32
    "tpu.region"() ({
      %run_scoped3A = tpu.sem_alloc : memref<!tpu.dma_semaphore, #tpu.memory_space<semaphore_mem>>
      %dma_start3A = arith.constant 0 : i32
      %dma_start3A_27 = tpu.memref_slice %arg6[%arg0, %mul3A_26, %dma_start3A] : memref<2x10240x128xf32, #tpu.memory_space<hbm>> -> memref<1x640x128xf32, #tpu.memory_space<hbm>>
      %dma_start3A_28 = tpu.memref_squeeze %dma_start3A_27 : memref<1x640x128xf32, #tpu.memory_space<hbm>> -> memref<640x128xf32, #tpu.memory_space<hbm>>
      %dma_start3A_29 = arith.constant 0 : i32
      %dma_start3A_30 = tpu.memref_slice %arg13[%mul3A_24, %dma_start3A_29] : memref<10240x128xf32, #tpu.memory_space<vmem_shared>> -> memref<640x128xf32, #tpu.memory_space<vmem_shared>>
      tpu.enqueue_dma source(%dma_start3A_30 : memref<640x128xf32, #tpu.memory_space<vmem_shared>>) target(%dma_start3A_28 : memref<640x128xf32, #tpu.memory_space<hbm>>) target_semaphore(%run_scoped3A : memref<!tpu.dma_semaphore, #tpu.memory_space<semaphore_mem>>)
      %dma_wait3A = arith.constant 0 : i32
      %dma_wait3A_31 = tpu.memref_slice %arg6[%arg0, %mul3A_26, %dma_wait3A] : memref<2x10240x128xf32, #tpu.memory_space<hbm>> -> memref<1x640x128xf32, #tpu.memory_space<hbm>>
      %dma_wait3A_32 = tpu.memref_squeeze %dma_wait3A_31 : memref<1x640x128xf32, #tpu.memory_space<hbm>> -> memref<640x128xf32, #tpu.memory_space<hbm>>
      %dma_wait3A_33 = arith.constant 0 : i32
      %dma_wait3A_34 = tpu.memref_slice %arg13[%mul3A_24, %dma_wait3A_33] : memref<10240x128xf32, #tpu.memory_space<vmem_shared>> -> memref<640x128xf32, #tpu.memory_space<vmem_shared>>
      tpu.wait_dma2 semaphore(%run_scoped3A : memref<!tpu.dma_semaphore, #tpu.memory_space<semaphore_mem>>) src(%dma_wait3A_34 : memref<640x128xf32, #tpu.memory_space<vmem_shared>>) dst(%dma_wait3A_32 : memref<640x128xf32, #tpu.memory_space<hbm>>)
      tpu.yield
    }) : () -> ()
    return
  }
}

#map = affine_map<(d0, d1) -> (0, 0)>
#map1 = affine_map<(d0, d1) -> (0, 0, 0)>
module attributes {stable_mosaic.version = 14 : i64} {
  func.func @_gs_kernel(%arg0: i32, %arg1: i32, %arg2: memref<10240x128xf32, #tpu.memory_space<hbm>>, %arg3: memref<5120x64xi32, #tpu.memory_space<hbm>>, %arg4: memref<5120x64xi32, #tpu.memory_space<hbm>>, %arg5: memref<10240x128xf32, #tpu.memory_space<hbm>>, %arg6: memref<2x10240x128xf32, #tpu.memory_space<hbm>>, %arg7: memref<32x64xi32, #tpu.memory_space<vmem>>, %arg8: memref<32x64xi32, #tpu.memory_space<vmem>>, %arg9: memref<64x128xf32, #tpu.memory_space<vmem>>, %arg10: memref<64x128xf32, #tpu.memory_space<vmem>>, %arg11: memref<!tpu.dma_semaphore, #tpu.memory_space<semaphore_mem>>, %arg12: memref<!tpu.dma_semaphore, #tpu.memory_space<semaphore_mem>>, %arg13: memref<10240x128xf32, #tpu.memory_space<vmem_shared>>) attributes {dimension_semantics = [#tpu.dimension_semantics<core_parallel>, #tpu.dimension_semantics<subcore_parallel>], iteration_bounds = array<i64: 2, 16>, scalar_prefetch = 0 : i64, scratch_operands = 7 : i64, tpu.core_type = #tpu.core_type<sc_vector_subcore>, window_params = [{transform_indices = #map}, {transform_indices = #map}, {transform_indices = #map}, {transform_indices = #map}, {transform_indices = #map1}]} {
    %mul3A = arith.constant 640 : i32
    %mul3A_0 = arith.muli %arg1, %mul3A : i32
    %mul3A_1 = arith.constant 640 : i32
    %mul3A_2 = arith.muli %arg1, %mul3A_1 : i32
    "tpu.region"() ({
      %run_scoped3A = tpu.sem_alloc : memref<!tpu.dma_semaphore, #tpu.memory_space<semaphore_mem>>
      %dma_start3A = arith.constant 0 : i32
      %dma_start3A_27 = tpu.memref_slice %arg13[%mul3A_2, %dma_start3A] : memref<10240x128xf32, #tpu.memory_space<vmem_shared>> -> memref<640x128xf32, #tpu.memory_space<vmem_shared>>
      %dma_start3A_28 = arith.constant 0 : i32
      %dma_start3A_29 = tpu.memref_slice %arg5[%mul3A_0, %dma_start3A_28] : memref<10240x128xf32, #tpu.memory_space<hbm>> -> memref<640x128xf32, #tpu.memory_space<hbm>>
      tpu.enqueue_dma source(%dma_start3A_29 : memref<640x128xf32, #tpu.memory_space<hbm>>) target(%dma_start3A_27 : memref<640x128xf32, #tpu.memory_space<vmem_shared>>) target_semaphore(%run_scoped3A : memref<!tpu.dma_semaphore, #tpu.memory_space<semaphore_mem>>)
      %dma_wait3A = arith.constant 0 : i32
      %dma_wait3A_30 = tpu.memref_slice %arg13[%mul3A_2, %dma_wait3A] : memref<10240x128xf32, #tpu.memory_space<vmem_shared>> -> memref<640x128xf32, #tpu.memory_space<vmem_shared>>
      %dma_wait3A_31 = arith.constant 0 : i32
      %dma_wait3A_32 = tpu.memref_slice %arg5[%mul3A_0, %dma_wait3A_31] : memref<10240x128xf32, #tpu.memory_space<hbm>> -> memref<640x128xf32, #tpu.memory_space<hbm>>
      tpu.wait_dma2 semaphore(%run_scoped3A : memref<!tpu.dma_semaphore, #tpu.memory_space<semaphore_mem>>) src(%dma_wait3A_32 : memref<640x128xf32, #tpu.memory_space<hbm>>) dst(%dma_wait3A_30 : memref<640x128xf32, #tpu.memory_space<vmem_shared>>)
      tpu.yield
    }) : () -> ()
    %barrier3A = arith.constant 0 : index
    tpu.barrier barrier_id(%barrier3A)
    %eq3A = arith.constant 0 : i32
    %eq3A_3 = arith.cmpi eq, %arg0, %eq3A : i32
    %jit3A = arith.constant 8 : i32
    %jit3A_4 = arith.constant 2 : i32
    %select_n3A = arith.select %eq3A_3, %jit3A, %jit3A_4 : i32
    %eq3A_5 = arith.constant 0 : i32
    %eq3A_6 = arith.cmpi eq, %arg0, %eq3A_5 : i32
    %mul3A_7 = arith.constant 256 : i32
    %mul3A_8 = arith.muli %arg1, %mul3A_7 : i32
    %mul3A_9 = arith.constant 64 : i32
    %mul3A_10 = arith.muli %arg1, %mul3A_9 : i32
    %add3A = arith.constant 4096 : i32
    %add3A_11 = arith.addi %add3A, %mul3A_10 : i32
    %select_n3A_12 = arith.select %eq3A_6, %mul3A_8, %add3A_11 : i32
    %while3A = arith.constant 0 : i32
    %while3A_13 = arith.constant 0 : i32
    %while3A_14 = arith.subi %select_n3A, %while3A_13 : i32
    %while3A_15 = arith.addi %while3A_13, %while3A_14 : i32
    %while3A_16 = arith.constant 1 : i32
    %while3A_17 = arith.divsi %while3A_14, %while3A_16 : i32
    %while3A_18 = arith.muli %while3A_17, %while3A_16 : i32
    %while3A_19 = arith.addi %while3A_13, %while3A_18 : i32
    %while3A_20 = arith.constant 1 : i32
    scf.for %while3A_27 = %while3A_13 to %while3A_19 step %while3A_20  : i32 {
      %mul3A_28 = arith.constant 32 : i32
      %mul3A_29 = arith.muli %while3A_27, %mul3A_28 : i32
      %add3A_30 = arith.addi %select_n3A_12, %mul3A_29 : i32
      "tpu.region"() ({
        %run_scoped3A_63 = tpu.sem_alloc : memref<!tpu.dma_semaphore, #tpu.memory_space<semaphore_mem>>
        %dma_start3A_64 = arith.constant 0 : i32
        %dma_start3A_65 = tpu.memref_slice %arg3[%add3A_30, %dma_start3A_64] : memref<5120x64xi32, #tpu.memory_space<hbm>> -> memref<32x64xi32, #tpu.memory_space<hbm>>
        %dma_start3A_66 = arith.constant 0 : i32
        %dma_start3A_67 = tpu.memref_slice %arg3[%add3A_30, %dma_start3A_66] : memref<5120x64xi32, #tpu.memory_space<hbm>> -> memref<32x64xi32, #tpu.memory_space<hbm>>
        tpu.enqueue_dma source(%dma_start3A_67 : memref<32x64xi32, #tpu.memory_space<hbm>>) target(%arg7 : memref<32x64xi32, #tpu.memory_space<vmem>>) target_semaphore(%run_scoped3A_63 : memref<!tpu.dma_semaphore, #tpu.memory_space<semaphore_mem>>)
        %dma_wait3A_68 = arith.constant 0 : i32
        %dma_wait3A_69 = tpu.memref_slice %arg3[%add3A_30, %dma_wait3A_68] : memref<5120x64xi32, #tpu.memory_space<hbm>> -> memref<32x64xi32, #tpu.memory_space<hbm>>
        %dma_wait3A_70 = arith.constant 0 : i32
        %dma_wait3A_71 = tpu.memref_slice %arg3[%add3A_30, %dma_wait3A_70] : memref<5120x64xi32, #tpu.memory_space<hbm>> -> memref<32x64xi32, #tpu.memory_space<hbm>>
        tpu.wait_dma2 semaphore(%run_scoped3A_63 : memref<!tpu.dma_semaphore, #tpu.memory_space<semaphore_mem>>) src(%dma_wait3A_71 : memref<32x64xi32, #tpu.memory_space<hbm>>) dst(%arg7 : memref<32x64xi32, #tpu.memory_space<vmem>>)
        tpu.yield
      }) : () -> ()
      "tpu.region"() ({
        %run_scoped3A_63 = tpu.sem_alloc : memref<!tpu.dma_semaphore, #tpu.memory_space<semaphore_mem>>
        %dma_start3A_64 = arith.constant 0 : i32
        %dma_start3A_65 = tpu.memref_slice %arg4[%add3A_30, %dma_start3A_64] : memref<5120x64xi32, #tpu.memory_space<hbm>> -> memref<32x64xi32, #tpu.memory_space<hbm>>
        %dma_start3A_66 = arith.constant 0 : i32
        %dma_start3A_67 = tpu.memref_slice %arg4[%add3A_30, %dma_start3A_66] : memref<5120x64xi32, #tpu.memory_space<hbm>> -> memref<32x64xi32, #tpu.memory_space<hbm>>
        tpu.enqueue_dma source(%dma_start3A_67 : memref<32x64xi32, #tpu.memory_space<hbm>>) target(%arg8 : memref<32x64xi32, #tpu.memory_space<vmem>>) target_semaphore(%run_scoped3A_63 : memref<!tpu.dma_semaphore, #tpu.memory_space<semaphore_mem>>)
        %dma_wait3A_68 = arith.constant 0 : i32
        %dma_wait3A_69 = tpu.memref_slice %arg4[%add3A_30, %dma_wait3A_68] : memref<5120x64xi32, #tpu.memory_space<hbm>> -> memref<32x64xi32, #tpu.memory_space<hbm>>
        %dma_wait3A_70 = arith.constant 0 : i32
        %dma_wait3A_71 = tpu.memref_slice %arg4[%add3A_30, %dma_wait3A_70] : memref<5120x64xi32, #tpu.memory_space<hbm>> -> memref<32x64xi32, #tpu.memory_space<hbm>>
        tpu.wait_dma2 semaphore(%run_scoped3A_63 : memref<!tpu.dma_semaphore, #tpu.memory_space<semaphore_mem>>) src(%dma_wait3A_71 : memref<32x64xi32, #tpu.memory_space<hbm>>) dst(%arg8 : memref<32x64xi32, #tpu.memory_space<vmem>>)
        tpu.yield
      }) : () -> ()
      %dma_start3A = arith.constant 0 : i32
      %dma_start3A_31 = arith.constant 0 : i32
      %dma_start3A_32 = tpu.memref_slice %arg7[%dma_start3A, %dma_start3A_31] : memref<32x64xi32, #tpu.memory_space<vmem>> -> memref<1x64xi32, #tpu.memory_space<vmem>>
      %dma_start3A_33 = tpu.memref_squeeze %dma_start3A_32 : memref<1x64xi32, #tpu.memory_space<vmem>> -> memref<64xi32, #tpu.memory_space<vmem>>
      %dma_start3A_34 = arith.constant 0 : i32
      %dma_start3A_35 = arith.constant 0 : i32
      %dma_start3A_36 = tpu.memref_slice %arg2[%dma_start3A_34, %dma_start3A_35] : memref<10240x128xf32, #tpu.memory_space<hbm>> -> memref<10240x128xf32, #tpu.memory_space<hbm>>
      tpu.enqueue_indirect_dma source(%dma_start3A_36 : memref<10240x128xf32, #tpu.memory_space<hbm>>) target(%arg9 : memref<64x128xf32, #tpu.memory_space<vmem>>) offsets(%dma_start3A_33 : memref<64xi32, #tpu.memory_space<vmem>>) semaphore(%arg11 : memref<!tpu.dma_semaphore, #tpu.memory_space<semaphore_mem>>)
      %dma_start3A_37 = arith.constant 1 : i32
      %dma_start3A_38 = arith.constant 0 : i32
      %dma_start3A_39 = tpu.memref_slice %arg7[%dma_start3A_37, %dma_start3A_38] : memref<32x64xi32, #tpu.memory_space<vmem>> -> memref<1x64xi32, #tpu.memory_space<vmem>>
      %dma_start3A_40 = tpu.memref_squeeze %dma_start3A_39 : memref<1x64xi32, #tpu.memory_space<vmem>> -> memref<64xi32, #tpu.memory_space<vmem>>
      %dma_start3A_41 = arith.constant 0 : i32
      %dma_start3A_42 = arith.constant 0 : i32
      %dma_start3A_43 = tpu.memref_slice %arg2[%dma_start3A_41, %dma_start3A_42] : memref<10240x128xf32, #tpu.memory_space<hbm>> -> memref<10240x128xf32, #tpu.memory_space<hbm>>
      tpu.enqueue_indirect_dma source(%dma_start3A_43 : memref<10240x128xf32, #tpu.memory_space<hbm>>) target(%arg10 : memref<64x128xf32, #tpu.memory_space<vmem>>) offsets(%dma_start3A_40 : memref<64xi32, #tpu.memory_space<vmem>>) semaphore(%arg12 : memref<!tpu.dma_semaphore, #tpu.memory_space<semaphore_mem>>)
      %scan3A = arith.constant 0 : i32
      %scan3A_44 = arith.constant 0 : i32
      %scan3A_45 = arith.constant 15 : i32
      %scan3A_46 = arith.addi %scan3A_44, %scan3A_45 : i32
      %scan3A_47 = arith.constant 1 : i32
      scf.for %scan3A_63 = %scan3A_44 to %scan3A_46 step %scan3A_47  : i32 {
        %mul3A_64 = arith.constant 2 : i32
        %mul3A_65 = arith.muli %mul3A_64, %scan3A_63 : i32
        %add3A_66 = arith.constant 0 : i32
        %add3A_67 = arith.addi %mul3A_65, %add3A_66 : i32
        %dma_wait3A_68 = arith.constant 0 : i32
        %dma_wait3A_69 = tpu.memref_slice %arg7[%add3A_67, %dma_wait3A_68] : memref<32x64xi32, #tpu.memory_space<vmem>> -> memref<1x64xi32, #tpu.memory_space<vmem>>
        %dma_wait3A_70 = tpu.memref_squeeze %dma_wait3A_69 : memref<1x64xi32, #tpu.memory_space<vmem>> -> memref<64xi32, #tpu.memory_space<vmem>>
        %dma_wait3A_71 = arith.constant 0 : i32
        %dma_wait3A_72 = arith.constant 0 : i32
        %dma_wait3A_73 = tpu.memref_slice %arg2[%dma_wait3A_71, %dma_wait3A_72] : memref<10240x128xf32, #tpu.memory_space<hbm>> -> memref<10240x128xf32, #tpu.memory_space<hbm>>
        tpu.wait_indirect_dma semaphore(%arg11 : memref<!tpu.dma_semaphore, #tpu.memory_space<semaphore_mem>>) src(%dma_wait3A_73 : memref<10240x128xf32, #tpu.memory_space<hbm>>) dst(%arg9 : memref<64x128xf32, #tpu.memory_space<vmem>>)
        "tpu.region"() ({
          %run_scoped3A_100 = tpu.sem_alloc : memref<!tpu.dma_semaphore, #tpu.memory_space<semaphore_mem>>
          %dma_start3A_101 = arith.constant 0 : i32
          %dma_start3A_102 = tpu.memref_slice %arg8[%add3A_67, %dma_start3A_101] : memref<32x64xi32, #tpu.memory_space<vmem>> -> memref<1x64xi32, #tpu.memory_space<vmem>>
          %dma_start3A_103 = tpu.memref_squeeze %dma_start3A_102 : memref<1x64xi32, #tpu.memory_space<vmem>> -> memref<64xi32, #tpu.memory_space<vmem>>
          %dma_start3A_104 = arith.constant 0 : i32
          %dma_start3A_105 = arith.constant 0 : i32
          %dma_start3A_106 = tpu.memref_slice %arg13[%dma_start3A_104, %dma_start3A_105] : memref<10240x128xf32, #tpu.memory_space<vmem_shared>> -> memref<10240x128xf32, #tpu.memory_space<vmem_shared>>
          tpu.enqueue_indirect_dma source(%arg9 : memref<64x128xf32, #tpu.memory_space<vmem>>) target(%dma_start3A_106 : memref<10240x128xf32, #tpu.memory_space<vmem_shared>>) offsets(%dma_start3A_103 : memref<64xi32, #tpu.memory_space<vmem>>) semaphore(%run_scoped3A_100 : memref<!tpu.dma_semaphore, #tpu.memory_space<semaphore_mem>>) {add = true}
          %dma_wait3A_107 = arith.constant 0 : i32
          %dma_wait3A_108 = tpu.memref_slice %arg8[%add3A_67, %dma_wait3A_107] : memref<32x64xi32, #tpu.memory_space<vmem>> -> memref<1x64xi32, #tpu.memory_space<vmem>>
          %dma_wait3A_109 = tpu.memref_squeeze %dma_wait3A_108 : memref<1x64xi32, #tpu.memory_space<vmem>> -> memref<64xi32, #tpu.memory_space<vmem>>
          %dma_wait3A_110 = arith.constant 0 : i32
          %dma_wait3A_111 = arith.constant 0 : i32
          %dma_wait3A_112 = tpu.memref_slice %arg13[%dma_wait3A_110, %dma_wait3A_111] : memref<10240x128xf32, #tpu.memory_space<vmem_shared>> -> memref<10240x128xf32, #tpu.memory_space<vmem_shared>>
          tpu.wait_indirect_dma semaphore(%run_scoped3A_100 : memref<!tpu.dma_semaphore, #tpu.memory_space<semaphore_mem>>) src(%arg9 : memref<64x128xf32, #tpu.memory_space<vmem>>) dst(%dma_wait3A_112 : memref<10240x128xf32, #tpu.memory_space<vmem_shared>>)
          tpu.yield
        }) : () -> ()
        %add3A_74 = arith.constant 2 : i32
        %add3A_75 = arith.addi %add3A_67, %add3A_74 : i32
        %dma_start3A_76 = arith.constant 0 : i32
        %dma_start3A_77 = tpu.memref_slice %arg7[%add3A_75, %dma_start3A_76] : memref<32x64xi32, #tpu.memory_space<vmem>> -> memref<1x64xi32, #tpu.memory_space<vmem>>
        %dma_start3A_78 = tpu.memref_squeeze %dma_start3A_77 : memref<1x64xi32, #tpu.memory_space<vmem>> -> memref<64xi32, #tpu.memory_space<vmem>>
        %dma_start3A_79 = arith.constant 0 : i32
        %dma_start3A_80 = arith.constant 0 : i32
        %dma_start3A_81 = tpu.memref_slice %arg2[%dma_start3A_79, %dma_start3A_80] : memref<10240x128xf32, #tpu.memory_space<hbm>> -> memref<10240x128xf32, #tpu.memory_space<hbm>>
        tpu.enqueue_indirect_dma source(%dma_start3A_81 : memref<10240x128xf32, #tpu.memory_space<hbm>>) target(%arg9 : memref<64x128xf32, #tpu.memory_space<vmem>>) offsets(%dma_start3A_78 : memref<64xi32, #tpu.memory_space<vmem>>) semaphore(%arg11 : memref<!tpu.dma_semaphore, #tpu.memory_space<semaphore_mem>>)
        %mul3A_82 = arith.constant 2 : i32
        %mul3A_83 = arith.muli %mul3A_82, %scan3A_63 : i32
        %add3A_84 = arith.constant 1 : i32
        %add3A_85 = arith.addi %mul3A_83, %add3A_84 : i32
        %dma_wait3A_86 = arith.constant 0 : i32
        %dma_wait3A_87 = tpu.memref_slice %arg7[%add3A_85, %dma_wait3A_86] : memref<32x64xi32, #tpu.memory_space<vmem>> -> memref<1x64xi32, #tpu.memory_space<vmem>>
        %dma_wait3A_88 = tpu.memref_squeeze %dma_wait3A_87 : memref<1x64xi32, #tpu.memory_space<vmem>> -> memref<64xi32, #tpu.memory_space<vmem>>
        %dma_wait3A_89 = arith.constant 0 : i32
        %dma_wait3A_90 = arith.constant 0 : i32
        %dma_wait3A_91 = tpu.memref_slice %arg2[%dma_wait3A_89, %dma_wait3A_90] : memref<10240x128xf32, #tpu.memory_space<hbm>> -> memref<10240x128xf32, #tpu.memory_space<hbm>>
        tpu.wait_indirect_dma semaphore(%arg12 : memref<!tpu.dma_semaphore, #tpu.memory_space<semaphore_mem>>) src(%dma_wait3A_91 : memref<10240x128xf32, #tpu.memory_space<hbm>>) dst(%arg10 : memref<64x128xf32, #tpu.memory_space<vmem>>)
        "tpu.region"() ({
          %run_scoped3A_100 = tpu.sem_alloc : memref<!tpu.dma_semaphore, #tpu.memory_space<semaphore_mem>>
          %dma_start3A_101 = arith.constant 0 : i32
          %dma_start3A_102 = tpu.memref_slice %arg8[%add3A_85, %dma_start3A_101] : memref<32x64xi32, #tpu.memory_space<vmem>> -> memref<1x64xi32, #tpu.memory_space<vmem>>
          %dma_start3A_103 = tpu.memref_squeeze %dma_start3A_102 : memref<1x64xi32, #tpu.memory_space<vmem>> -> memref<64xi32, #tpu.memory_space<vmem>>
          %dma_start3A_104 = arith.constant 0 : i32
          %dma_start3A_105 = arith.constant 0 : i32
          %dma_start3A_106 = tpu.memref_slice %arg13[%dma_start3A_104, %dma_start3A_105] : memref<10240x128xf32, #tpu.memory_space<vmem_shared>> -> memref<10240x128xf32, #tpu.memory_space<vmem_shared>>
          tpu.enqueue_indirect_dma source(%arg10 : memref<64x128xf32, #tpu.memory_space<vmem>>) target(%dma_start3A_106 : memref<10240x128xf32, #tpu.memory_space<vmem_shared>>) offsets(%dma_start3A_103 : memref<64xi32, #tpu.memory_space<vmem>>) semaphore(%run_scoped3A_100 : memref<!tpu.dma_semaphore, #tpu.memory_space<semaphore_mem>>) {add = true}
          %dma_wait3A_107 = arith.constant 0 : i32
          %dma_wait3A_108 = tpu.memref_slice %arg8[%add3A_85, %dma_wait3A_107] : memref<32x64xi32, #tpu.memory_space<vmem>> -> memref<1x64xi32, #tpu.memory_space<vmem>>
          %dma_wait3A_109 = tpu.memref_squeeze %dma_wait3A_108 : memref<1x64xi32, #tpu.memory_space<vmem>> -> memref<64xi32, #tpu.memory_space<vmem>>
          %dma_wait3A_110 = arith.constant 0 : i32
          %dma_wait3A_111 = arith.constant 0 : i32
          %dma_wait3A_112 = tpu.memref_slice %arg13[%dma_wait3A_110, %dma_wait3A_111] : memref<10240x128xf32, #tpu.memory_space<vmem_shared>> -> memref<10240x128xf32, #tpu.memory_space<vmem_shared>>
          tpu.wait_indirect_dma semaphore(%run_scoped3A_100 : memref<!tpu.dma_semaphore, #tpu.memory_space<semaphore_mem>>) src(%arg10 : memref<64x128xf32, #tpu.memory_space<vmem>>) dst(%dma_wait3A_112 : memref<10240x128xf32, #tpu.memory_space<vmem_shared>>)
          tpu.yield
        }) : () -> ()
        %add3A_92 = arith.constant 2 : i32
        %add3A_93 = arith.addi %add3A_85, %add3A_92 : i32
        %dma_start3A_94 = arith.constant 0 : i32
        %dma_start3A_95 = tpu.memref_slice %arg7[%add3A_93, %dma_start3A_94] : memref<32x64xi32, #tpu.memory_space<vmem>> -> memref<1x64xi32, #tpu.memory_space<vmem>>
        %dma_start3A_96 = tpu.memref_squeeze %dma_start3A_95 : memref<1x64xi32, #tpu.memory_space<vmem>> -> memref<64xi32, #tpu.memory_space<vmem>>
        %dma_start3A_97 = arith.constant 0 : i32
        %dma_start3A_98 = arith.constant 0 : i32
        %dma_start3A_99 = tpu.memref_slice %arg2[%dma_start3A_97, %dma_start3A_98] : memref<10240x128xf32, #tpu.memory_space<hbm>> -> memref<10240x128xf32, #tpu.memory_space<hbm>>
        tpu.enqueue_indirect_dma source(%dma_start3A_99 : memref<10240x128xf32, #tpu.memory_space<hbm>>) target(%arg10 : memref<64x128xf32, #tpu.memory_space<vmem>>) offsets(%dma_start3A_96 : memref<64xi32, #tpu.memory_space<vmem>>) semaphore(%arg12 : memref<!tpu.dma_semaphore, #tpu.memory_space<semaphore_mem>>)
      }
      %scan3A_48 = arith.constant 15 : i32
      %dma_wait3A = arith.constant 30 : i32
      %dma_wait3A_49 = arith.constant 0 : i32
      %dma_wait3A_50 = tpu.memref_slice %arg7[%dma_wait3A, %dma_wait3A_49] : memref<32x64xi32, #tpu.memory_space<vmem>> -> memref<1x64xi32, #tpu.memory_space<vmem>>
      %dma_wait3A_51 = tpu.memref_squeeze %dma_wait3A_50 : memref<1x64xi32, #tpu.memory_space<vmem>> -> memref<64xi32, #tpu.memory_space<vmem>>
      %dma_wait3A_52 = arith.constant 0 : i32
      %dma_wait3A_53 = arith.constant 0 : i32
      %dma_wait3A_54 = tpu.memref_slice %arg2[%dma_wait3A_52, %dma_wait3A_53] : memref<10240x128xf32, #tpu.memory_space<hbm>> -> memref<10240x128xf32, #tpu.memory_space<hbm>>
      tpu.wait_indirect_dma semaphore(%arg11 : memref<!tpu.dma_semaphore, #tpu.memory_space<semaphore_mem>>) src(%dma_wait3A_54 : memref<10240x128xf32, #tpu.memory_space<hbm>>) dst(%arg9 : memref<64x128xf32, #tpu.memory_space<vmem>>)
      %run_scoped3A = arith.constant 30 : i32
      "tpu.region"() ({
        %run_scoped3A_63 = tpu.sem_alloc : memref<!tpu.dma_semaphore, #tpu.memory_space<semaphore_mem>>
        %dma_start3A_64 = arith.constant 0 : i32
        %dma_start3A_65 = tpu.memref_slice %arg8[%run_scoped3A, %dma_start3A_64] : memref<32x64xi32, #tpu.memory_space<vmem>> -> memref<1x64xi32, #tpu.memory_space<vmem>>
        %dma_start3A_66 = tpu.memref_squeeze %dma_start3A_65 : memref<1x64xi32, #tpu.memory_space<vmem>> -> memref<64xi32, #tpu.memory_space<vmem>>
        %dma_start3A_67 = arith.constant 0 : i32
        %dma_start3A_68 = arith.constant 0 : i32
        %dma_start3A_69 = tpu.memref_slice %arg13[%dma_start3A_67, %dma_start3A_68] : memref<10240x128xf32, #tpu.memory_space<vmem_shared>> -> memref<10240x128xf32, #tpu.memory_space<vmem_shared>>
        tpu.enqueue_indirect_dma source(%arg9 : memref<64x128xf32, #tpu.memory_space<vmem>>) target(%dma_start3A_69 : memref<10240x128xf32, #tpu.memory_space<vmem_shared>>) offsets(%dma_start3A_66 : memref<64xi32, #tpu.memory_space<vmem>>) semaphore(%run_scoped3A_63 : memref<!tpu.dma_semaphore, #tpu.memory_space<semaphore_mem>>) {add = true}
        %dma_wait3A_70 = arith.constant 0 : i32
        %dma_wait3A_71 = tpu.memref_slice %arg8[%run_scoped3A, %dma_wait3A_70] : memref<32x64xi32, #tpu.memory_space<vmem>> -> memref<1x64xi32, #tpu.memory_space<vmem>>
        %dma_wait3A_72 = tpu.memref_squeeze %dma_wait3A_71 : memref<1x64xi32, #tpu.memory_space<vmem>> -> memref<64xi32, #tpu.memory_space<vmem>>
        %dma_wait3A_73 = arith.constant 0 : i32
        %dma_wait3A_74 = arith.constant 0 : i32
        %dma_wait3A_75 = tpu.memref_slice %arg13[%dma_wait3A_73, %dma_wait3A_74] : memref<10240x128xf32, #tpu.memory_space<vmem_shared>> -> memref<10240x128xf32, #tpu.memory_space<vmem_shared>>
        tpu.wait_indirect_dma semaphore(%run_scoped3A_63 : memref<!tpu.dma_semaphore, #tpu.memory_space<semaphore_mem>>) src(%arg9 : memref<64x128xf32, #tpu.memory_space<vmem>>) dst(%dma_wait3A_75 : memref<10240x128xf32, #tpu.memory_space<vmem_shared>>)
        tpu.yield
      }) : () -> ()
      %dma_wait3A_55 = arith.constant 31 : i32
      %dma_wait3A_56 = arith.constant 0 : i32
      %dma_wait3A_57 = tpu.memref_slice %arg7[%dma_wait3A_55, %dma_wait3A_56] : memref<32x64xi32, #tpu.memory_space<vmem>> -> memref<1x64xi32, #tpu.memory_space<vmem>>
      %dma_wait3A_58 = tpu.memref_squeeze %dma_wait3A_57 : memref<1x64xi32, #tpu.memory_space<vmem>> -> memref<64xi32, #tpu.memory_space<vmem>>
      %dma_wait3A_59 = arith.constant 0 : i32
      %dma_wait3A_60 = arith.constant 0 : i32
      %dma_wait3A_61 = tpu.memref_slice %arg2[%dma_wait3A_59, %dma_wait3A_60] : memref<10240x128xf32, #tpu.memory_space<hbm>> -> memref<10240x128xf32, #tpu.memory_space<hbm>>
      tpu.wait_indirect_dma semaphore(%arg12 : memref<!tpu.dma_semaphore, #tpu.memory_space<semaphore_mem>>) src(%dma_wait3A_61 : memref<10240x128xf32, #tpu.memory_space<hbm>>) dst(%arg10 : memref<64x128xf32, #tpu.memory_space<vmem>>)
      %run_scoped3A_62 = arith.constant 31 : i32
      "tpu.region"() ({
        %run_scoped3A_63 = tpu.sem_alloc : memref<!tpu.dma_semaphore, #tpu.memory_space<semaphore_mem>>
        %dma_start3A_64 = arith.constant 0 : i32
        %dma_start3A_65 = tpu.memref_slice %arg8[%run_scoped3A_62, %dma_start3A_64] : memref<32x64xi32, #tpu.memory_space<vmem>> -> memref<1x64xi32, #tpu.memory_space<vmem>>
        %dma_start3A_66 = tpu.memref_squeeze %dma_start3A_65 : memref<1x64xi32, #tpu.memory_space<vmem>> -> memref<64xi32, #tpu.memory_space<vmem>>
        %dma_start3A_67 = arith.constant 0 : i32
        %dma_start3A_68 = arith.constant 0 : i32
        %dma_start3A_69 = tpu.memref_slice %arg13[%dma_start3A_67, %dma_start3A_68] : memref<10240x128xf32, #tpu.memory_space<vmem_shared>> -> memref<10240x128xf32, #tpu.memory_space<vmem_shared>>
        tpu.enqueue_indirect_dma source(%arg10 : memref<64x128xf32, #tpu.memory_space<vmem>>) target(%dma_start3A_69 : memref<10240x128xf32, #tpu.memory_space<vmem_shared>>) offsets(%dma_start3A_66 : memref<64xi32, #tpu.memory_space<vmem>>) semaphore(%run_scoped3A_63 : memref<!tpu.dma_semaphore, #tpu.memory_space<semaphore_mem>>) {add = true}
        %dma_wait3A_70 = arith.constant 0 : i32
        %dma_wait3A_71 = tpu.memref_slice %arg8[%run_scoped3A_62, %dma_wait3A_70] : memref<32x64xi32, #tpu.memory_space<vmem>> -> memref<1x64xi32, #tpu.memory_space<vmem>>
        %dma_wait3A_72 = tpu.memref_squeeze %dma_wait3A_71 : memref<1x64xi32, #tpu.memory_space<vmem>> -> memref<64xi32, #tpu.memory_space<vmem>>
        %dma_wait3A_73 = arith.constant 0 : i32
        %dma_wait3A_74 = arith.constant 0 : i32
        %dma_wait3A_75 = tpu.memref_slice %arg13[%dma_wait3A_73, %dma_wait3A_74] : memref<10240x128xf32, #tpu.memory_space<vmem_shared>> -> memref<10240x128xf32, #tpu.memory_space<vmem_shared>>
        tpu.wait_indirect_dma semaphore(%run_scoped3A_63 : memref<!tpu.dma_semaphore, #tpu.memory_space<semaphore_mem>>) src(%arg10 : memref<64x128xf32, #tpu.memory_space<vmem>>) dst(%dma_wait3A_75 : memref<10240x128xf32, #tpu.memory_space<vmem_shared>>)
        tpu.yield
      }) : () -> ()
    }
    %while3A_21 = arith.constant 1 : i32
    scf.for %while3A_27 = %while3A_19 to %while3A_15 step %while3A_21  : i32 {
      %mul3A_28 = arith.constant 32 : i32
      %mul3A_29 = arith.muli %while3A_27, %mul3A_28 : i32
      %add3A_30 = arith.addi %select_n3A_12, %mul3A_29 : i32
      "tpu.region"() ({
        %run_scoped3A_63 = tpu.sem_alloc : memref<!tpu.dma_semaphore, #tpu.memory_space<semaphore_mem>>
        %dma_start3A_64 = arith.constant 0 : i32
        %dma_start3A_65 = tpu.memref_slice %arg3[%add3A_30, %dma_start3A_64] : memref<5120x64xi32, #tpu.memory_space<hbm>> -> memref<32x64xi32, #tpu.memory_space<hbm>>
        %dma_start3A_66 = arith.constant 0 : i32
        %dma_start3A_67 = tpu.memref_slice %arg3[%add3A_30, %dma_start3A_66] : memref<5120x64xi32, #tpu.memory_space<hbm>> -> memref<32x64xi32, #tpu.memory_space<hbm>>
        tpu.enqueue_dma source(%dma_start3A_67 : memref<32x64xi32, #tpu.memory_space<hbm>>) target(%arg7 : memref<32x64xi32, #tpu.memory_space<vmem>>) target_semaphore(%run_scoped3A_63 : memref<!tpu.dma_semaphore, #tpu.memory_space<semaphore_mem>>)
        %dma_wait3A_68 = arith.constant 0 : i32
        %dma_wait3A_69 = tpu.memref_slice %arg3[%add3A_30, %dma_wait3A_68] : memref<5120x64xi32, #tpu.memory_space<hbm>> -> memref<32x64xi32, #tpu.memory_space<hbm>>
        %dma_wait3A_70 = arith.constant 0 : i32
        %dma_wait3A_71 = tpu.memref_slice %arg3[%add3A_30, %dma_wait3A_70] : memref<5120x64xi32, #tpu.memory_space<hbm>> -> memref<32x64xi32, #tpu.memory_space<hbm>>
        tpu.wait_dma2 semaphore(%run_scoped3A_63 : memref<!tpu.dma_semaphore, #tpu.memory_space<semaphore_mem>>) src(%dma_wait3A_71 : memref<32x64xi32, #tpu.memory_space<hbm>>) dst(%arg7 : memref<32x64xi32, #tpu.memory_space<vmem>>)
        tpu.yield
      }) : () -> ()
      "tpu.region"() ({
        %run_scoped3A_63 = tpu.sem_alloc : memref<!tpu.dma_semaphore, #tpu.memory_space<semaphore_mem>>
        %dma_start3A_64 = arith.constant 0 : i32
        %dma_start3A_65 = tpu.memref_slice %arg4[%add3A_30, %dma_start3A_64] : memref<5120x64xi32, #tpu.memory_space<hbm>> -> memref<32x64xi32, #tpu.memory_space<hbm>>
        %dma_start3A_66 = arith.constant 0 : i32
        %dma_start3A_67 = tpu.memref_slice %arg4[%add3A_30, %dma_start3A_66] : memref<5120x64xi32, #tpu.memory_space<hbm>> -> memref<32x64xi32, #tpu.memory_space<hbm>>
        tpu.enqueue_dma source(%dma_start3A_67 : memref<32x64xi32, #tpu.memory_space<hbm>>) target(%arg8 : memref<32x64xi32, #tpu.memory_space<vmem>>) target_semaphore(%run_scoped3A_63 : memref<!tpu.dma_semaphore, #tpu.memory_space<semaphore_mem>>)
        %dma_wait3A_68 = arith.constant 0 : i32
        %dma_wait3A_69 = tpu.memref_slice %arg4[%add3A_30, %dma_wait3A_68] : memref<5120x64xi32, #tpu.memory_space<hbm>> -> memref<32x64xi32, #tpu.memory_space<hbm>>
        %dma_wait3A_70 = arith.constant 0 : i32
        %dma_wait3A_71 = tpu.memref_slice %arg4[%add3A_30, %dma_wait3A_70] : memref<5120x64xi32, #tpu.memory_space<hbm>> -> memref<32x64xi32, #tpu.memory_space<hbm>>
        tpu.wait_dma2 semaphore(%run_scoped3A_63 : memref<!tpu.dma_semaphore, #tpu.memory_space<semaphore_mem>>) src(%dma_wait3A_71 : memref<32x64xi32, #tpu.memory_space<hbm>>) dst(%arg8 : memref<32x64xi32, #tpu.memory_space<vmem>>)
        tpu.yield
      }) : () -> ()
      %dma_start3A = arith.constant 0 : i32
      %dma_start3A_31 = arith.constant 0 : i32
      %dma_start3A_32 = tpu.memref_slice %arg7[%dma_start3A, %dma_start3A_31] : memref<32x64xi32, #tpu.memory_space<vmem>> -> memref<1x64xi32, #tpu.memory_space<vmem>>
      %dma_start3A_33 = tpu.memref_squeeze %dma_start3A_32 : memref<1x64xi32, #tpu.memory_space<vmem>> -> memref<64xi32, #tpu.memory_space<vmem>>
      %dma_start3A_34 = arith.constant 0 : i32
      %dma_start3A_35 = arith.constant 0 : i32
      %dma_start3A_36 = tpu.memref_slice %arg2[%dma_start3A_34, %dma_start3A_35] : memref<10240x128xf32, #tpu.memory_space<hbm>> -> memref<10240x128xf32, #tpu.memory_space<hbm>>
      tpu.enqueue_indirect_dma source(%dma_start3A_36 : memref<10240x128xf32, #tpu.memory_space<hbm>>) target(%arg9 : memref<64x128xf32, #tpu.memory_space<vmem>>) offsets(%dma_start3A_33 : memref<64xi32, #tpu.memory_space<vmem>>) semaphore(%arg11 : memref<!tpu.dma_semaphore, #tpu.memory_space<semaphore_mem>>)
      %dma_start3A_37 = arith.constant 1 : i32
      %dma_start3A_38 = arith.constant 0 : i32
      %dma_start3A_39 = tpu.memref_slice %arg7[%dma_start3A_37, %dma_start3A_38] : memref<32x64xi32, #tpu.memory_space<vmem>> -> memref<1x64xi32, #tpu.memory_space<vmem>>
      %dma_start3A_40 = tpu.memref_squeeze %dma_start3A_39 : memref<1x64xi32, #tpu.memory_space<vmem>> -> memref<64xi32, #tpu.memory_space<vmem>>
      %dma_start3A_41 = arith.constant 0 : i32
      %dma_start3A_42 = arith.constant 0 : i32
      %dma_start3A_43 = tpu.memref_slice %arg2[%dma_start3A_41, %dma_start3A_42] : memref<10240x128xf32, #tpu.memory_space<hbm>> -> memref<10240x128xf32, #tpu.memory_space<hbm>>
      tpu.enqueue_indirect_dma source(%dma_start3A_43 : memref<10240x128xf32, #tpu.memory_space<hbm>>) target(%arg10 : memref<64x128xf32, #tpu.memory_space<vmem>>) offsets(%dma_start3A_40 : memref<64xi32, #tpu.memory_space<vmem>>) semaphore(%arg12 : memref<!tpu.dma_semaphore, #tpu.memory_space<semaphore_mem>>)
      %scan3A = arith.constant 0 : i32
      %scan3A_44 = arith.constant 0 : i32
      %scan3A_45 = arith.constant 15 : i32
      %scan3A_46 = arith.addi %scan3A_44, %scan3A_45 : i32
      %scan3A_47 = arith.constant 1 : i32
      scf.for %scan3A_63 = %scan3A_44 to %scan3A_46 step %scan3A_47  : i32 {
        %mul3A_64 = arith.constant 2 : i32
        %mul3A_65 = arith.muli %mul3A_64, %scan3A_63 : i32
        %add3A_66 = arith.constant 0 : i32
        %add3A_67 = arith.addi %mul3A_65, %add3A_66 : i32
        %dma_wait3A_68 = arith.constant 0 : i32
        %dma_wait3A_69 = tpu.memref_slice %arg7[%add3A_67, %dma_wait3A_68] : memref<32x64xi32, #tpu.memory_space<vmem>> -> memref<1x64xi32, #tpu.memory_space<vmem>>
        %dma_wait3A_70 = tpu.memref_squeeze %dma_wait3A_69 : memref<1x64xi32, #tpu.memory_space<vmem>> -> memref<64xi32, #tpu.memory_space<vmem>>
        %dma_wait3A_71 = arith.constant 0 : i32
        %dma_wait3A_72 = arith.constant 0 : i32
        %dma_wait3A_73 = tpu.memref_slice %arg2[%dma_wait3A_71, %dma_wait3A_72] : memref<10240x128xf32, #tpu.memory_space<hbm>> -> memref<10240x128xf32, #tpu.memory_space<hbm>>
        tpu.wait_indirect_dma semaphore(%arg11 : memref<!tpu.dma_semaphore, #tpu.memory_space<semaphore_mem>>) src(%dma_wait3A_73 : memref<10240x128xf32, #tpu.memory_space<hbm>>) dst(%arg9 : memref<64x128xf32, #tpu.memory_space<vmem>>)
        "tpu.region"() ({
          %run_scoped3A_100 = tpu.sem_alloc : memref<!tpu.dma_semaphore, #tpu.memory_space<semaphore_mem>>
          %dma_start3A_101 = arith.constant 0 : i32
          %dma_start3A_102 = tpu.memref_slice %arg8[%add3A_67, %dma_start3A_101] : memref<32x64xi32, #tpu.memory_space<vmem>> -> memref<1x64xi32, #tpu.memory_space<vmem>>
          %dma_start3A_103 = tpu.memref_squeeze %dma_start3A_102 : memref<1x64xi32, #tpu.memory_space<vmem>> -> memref<64xi32, #tpu.memory_space<vmem>>
          %dma_start3A_104 = arith.constant 0 : i32
          %dma_start3A_105 = arith.constant 0 : i32
          %dma_start3A_106 = tpu.memref_slice %arg13[%dma_start3A_104, %dma_start3A_105] : memref<10240x128xf32, #tpu.memory_space<vmem_shared>> -> memref<10240x128xf32, #tpu.memory_space<vmem_shared>>
          tpu.enqueue_indirect_dma source(%arg9 : memref<64x128xf32, #tpu.memory_space<vmem>>) target(%dma_start3A_106 : memref<10240x128xf32, #tpu.memory_space<vmem_shared>>) offsets(%dma_start3A_103 : memref<64xi32, #tpu.memory_space<vmem>>) semaphore(%run_scoped3A_100 : memref<!tpu.dma_semaphore, #tpu.memory_space<semaphore_mem>>) {add = true}
          %dma_wait3A_107 = arith.constant 0 : i32
          %dma_wait3A_108 = tpu.memref_slice %arg8[%add3A_67, %dma_wait3A_107] : memref<32x64xi32, #tpu.memory_space<vmem>> -> memref<1x64xi32, #tpu.memory_space<vmem>>
          %dma_wait3A_109 = tpu.memref_squeeze %dma_wait3A_108 : memref<1x64xi32, #tpu.memory_space<vmem>> -> memref<64xi32, #tpu.memory_space<vmem>>
          %dma_wait3A_110 = arith.constant 0 : i32
          %dma_wait3A_111 = arith.constant 0 : i32
          %dma_wait3A_112 = tpu.memref_slice %arg13[%dma_wait3A_110, %dma_wait3A_111] : memref<10240x128xf32, #tpu.memory_space<vmem_shared>> -> memref<10240x128xf32, #tpu.memory_space<vmem_shared>>
          tpu.wait_indirect_dma semaphore(%run_scoped3A_100 : memref<!tpu.dma_semaphore, #tpu.memory_space<semaphore_mem>>) src(%arg9 : memref<64x128xf32, #tpu.memory_space<vmem>>) dst(%dma_wait3A_112 : memref<10240x128xf32, #tpu.memory_space<vmem_shared>>)
          tpu.yield
        }) : () -> ()
        %add3A_74 = arith.constant 2 : i32
        %add3A_75 = arith.addi %add3A_67, %add3A_74 : i32
        %dma_start3A_76 = arith.constant 0 : i32
        %dma_start3A_77 = tpu.memref_slice %arg7[%add3A_75, %dma_start3A_76] : memref<32x64xi32, #tpu.memory_space<vmem>> -> memref<1x64xi32, #tpu.memory_space<vmem>>
        %dma_start3A_78 = tpu.memref_squeeze %dma_start3A_77 : memref<1x64xi32, #tpu.memory_space<vmem>> -> memref<64xi32, #tpu.memory_space<vmem>>
        %dma_start3A_79 = arith.constant 0 : i32
        %dma_start3A_80 = arith.constant 0 : i32
        %dma_start3A_81 = tpu.memref_slice %arg2[%dma_start3A_79, %dma_start3A_80] : memref<10240x128xf32, #tpu.memory_space<hbm>> -> memref<10240x128xf32, #tpu.memory_space<hbm>>
        tpu.enqueue_indirect_dma source(%dma_start3A_81 : memref<10240x128xf32, #tpu.memory_space<hbm>>) target(%arg9 : memref<64x128xf32, #tpu.memory_space<vmem>>) offsets(%dma_start3A_78 : memref<64xi32, #tpu.memory_space<vmem>>) semaphore(%arg11 : memref<!tpu.dma_semaphore, #tpu.memory_space<semaphore_mem>>)
        %mul3A_82 = arith.constant 2 : i32
        %mul3A_83 = arith.muli %mul3A_82, %scan3A_63 : i32
        %add3A_84 = arith.constant 1 : i32
        %add3A_85 = arith.addi %mul3A_83, %add3A_84 : i32
        %dma_wait3A_86 = arith.constant 0 : i32
        %dma_wait3A_87 = tpu.memref_slice %arg7[%add3A_85, %dma_wait3A_86] : memref<32x64xi32, #tpu.memory_space<vmem>> -> memref<1x64xi32, #tpu.memory_space<vmem>>
        %dma_wait3A_88 = tpu.memref_squeeze %dma_wait3A_87 : memref<1x64xi32, #tpu.memory_space<vmem>> -> memref<64xi32, #tpu.memory_space<vmem>>
        %dma_wait3A_89 = arith.constant 0 : i32
        %dma_wait3A_90 = arith.constant 0 : i32
        %dma_wait3A_91 = tpu.memref_slice %arg2[%dma_wait3A_89, %dma_wait3A_90] : memref<10240x128xf32, #tpu.memory_space<hbm>> -> memref<10240x128xf32, #tpu.memory_space<hbm>>
        tpu.wait_indirect_dma semaphore(%arg12 : memref<!tpu.dma_semaphore, #tpu.memory_space<semaphore_mem>>) src(%dma_wait3A_91 : memref<10240x128xf32, #tpu.memory_space<hbm>>) dst(%arg10 : memref<64x128xf32, #tpu.memory_space<vmem>>)
        "tpu.region"() ({
          %run_scoped3A_100 = tpu.sem_alloc : memref<!tpu.dma_semaphore, #tpu.memory_space<semaphore_mem>>
          %dma_start3A_101 = arith.constant 0 : i32
          %dma_start3A_102 = tpu.memref_slice %arg8[%add3A_85, %dma_start3A_101] : memref<32x64xi32, #tpu.memory_space<vmem>> -> memref<1x64xi32, #tpu.memory_space<vmem>>
          %dma_start3A_103 = tpu.memref_squeeze %dma_start3A_102 : memref<1x64xi32, #tpu.memory_space<vmem>> -> memref<64xi32, #tpu.memory_space<vmem>>
          %dma_start3A_104 = arith.constant 0 : i32
          %dma_start3A_105 = arith.constant 0 : i32
          %dma_start3A_106 = tpu.memref_slice %arg13[%dma_start3A_104, %dma_start3A_105] : memref<10240x128xf32, #tpu.memory_space<vmem_shared>> -> memref<10240x128xf32, #tpu.memory_space<vmem_shared>>
          tpu.enqueue_indirect_dma source(%arg10 : memref<64x128xf32, #tpu.memory_space<vmem>>) target(%dma_start3A_106 : memref<10240x128xf32, #tpu.memory_space<vmem_shared>>) offsets(%dma_start3A_103 : memref<64xi32, #tpu.memory_space<vmem>>) semaphore(%run_scoped3A_100 : memref<!tpu.dma_semaphore, #tpu.memory_space<semaphore_mem>>) {add = true}
          %dma_wait3A_107 = arith.constant 0 : i32
          %dma_wait3A_108 = tpu.memref_slice %arg8[%add3A_85, %dma_wait3A_107] : memref<32x64xi32, #tpu.memory_space<vmem>> -> memref<1x64xi32, #tpu.memory_space<vmem>>
          %dma_wait3A_109 = tpu.memref_squeeze %dma_wait3A_108 : memref<1x64xi32, #tpu.memory_space<vmem>> -> memref<64xi32, #tpu.memory_space<vmem>>
          %dma_wait3A_110 = arith.constant 0 : i32
          %dma_wait3A_111 = arith.constant 0 : i32
          %dma_wait3A_112 = tpu.memref_slice %arg13[%dma_wait3A_110, %dma_wait3A_111] : memref<10240x128xf32, #tpu.memory_space<vmem_shared>> -> memref<10240x128xf32, #tpu.memory_space<vmem_shared>>
          tpu.wait_indirect_dma semaphore(%run_scoped3A_100 : memref<!tpu.dma_semaphore, #tpu.memory_space<semaphore_mem>>) src(%arg10 : memref<64x128xf32, #tpu.memory_space<vmem>>) dst(%dma_wait3A_112 : memref<10240x128xf32, #tpu.memory_space<vmem_shared>>)
          tpu.yield
        }) : () -> ()
        %add3A_92 = arith.constant 2 : i32
        %add3A_93 = arith.addi %add3A_85, %add3A_92 : i32
        %dma_start3A_94 = arith.constant 0 : i32
        %dma_start3A_95 = tpu.memref_slice %arg7[%add3A_93, %dma_start3A_94] : memref<32x64xi32, #tpu.memory_space<vmem>> -> memref<1x64xi32, #tpu.memory_space<vmem>>
        %dma_start3A_96 = tpu.memref_squeeze %dma_start3A_95 : memref<1x64xi32, #tpu.memory_space<vmem>> -> memref<64xi32, #tpu.memory_space<vmem>>
        %dma_start3A_97 = arith.constant 0 : i32
        %dma_start3A_98 = arith.constant 0 : i32
        %dma_start3A_99 = tpu.memref_slice %arg2[%dma_start3A_97, %dma_start3A_98] : memref<10240x128xf32, #tpu.memory_space<hbm>> -> memref<10240x128xf32, #tpu.memory_space<hbm>>
        tpu.enqueue_indirect_dma source(%dma_start3A_99 : memref<10240x128xf32, #tpu.memory_space<hbm>>) target(%arg10 : memref<64x128xf32, #tpu.memory_space<vmem>>) offsets(%dma_start3A_96 : memref<64xi32, #tpu.memory_space<vmem>>) semaphore(%arg12 : memref<!tpu.dma_semaphore, #tpu.memory_space<semaphore_mem>>)
      }
      %scan3A_48 = arith.constant 15 : i32
      %dma_wait3A = arith.constant 30 : i32
      %dma_wait3A_49 = arith.constant 0 : i32
      %dma_wait3A_50 = tpu.memref_slice %arg7[%dma_wait3A, %dma_wait3A_49] : memref<32x64xi32, #tpu.memory_space<vmem>> -> memref<1x64xi32, #tpu.memory_space<vmem>>
      %dma_wait3A_51 = tpu.memref_squeeze %dma_wait3A_50 : memref<1x64xi32, #tpu.memory_space<vmem>> -> memref<64xi32, #tpu.memory_space<vmem>>
      %dma_wait3A_52 = arith.constant 0 : i32
      %dma_wait3A_53 = arith.constant 0 : i32
      %dma_wait3A_54 = tpu.memref_slice %arg2[%dma_wait3A_52, %dma_wait3A_53] : memref<10240x128xf32, #tpu.memory_space<hbm>> -> memref<10240x128xf32, #tpu.memory_space<hbm>>
      tpu.wait_indirect_dma semaphore(%arg11 : memref<!tpu.dma_semaphore, #tpu.memory_space<semaphore_mem>>) src(%dma_wait3A_54 : memref<10240x128xf32, #tpu.memory_space<hbm>>) dst(%arg9 : memref<64x128xf32, #tpu.memory_space<vmem>>)
      %run_scoped3A = arith.constant 30 : i32
      "tpu.region"() ({
        %run_scoped3A_63 = tpu.sem_alloc : memref<!tpu.dma_semaphore, #tpu.memory_space<semaphore_mem>>
        %dma_start3A_64 = arith.constant 0 : i32
        %dma_start3A_65 = tpu.memref_slice %arg8[%run_scoped3A, %dma_start3A_64] : memref<32x64xi32, #tpu.memory_space<vmem>> -> memref<1x64xi32, #tpu.memory_space<vmem>>
        %dma_start3A_66 = tpu.memref_squeeze %dma_start3A_65 : memref<1x64xi32, #tpu.memory_space<vmem>> -> memref<64xi32, #tpu.memory_space<vmem>>
        %dma_start3A_67 = arith.constant 0 : i32
        %dma_start3A_68 = arith.constant 0 : i32
        %dma_start3A_69 = tpu.memref_slice %arg13[%dma_start3A_67, %dma_start3A_68] : memref<10240x128xf32, #tpu.memory_space<vmem_shared>> -> memref<10240x128xf32, #tpu.memory_space<vmem_shared>>
        tpu.enqueue_indirect_dma source(%arg9 : memref<64x128xf32, #tpu.memory_space<vmem>>) target(%dma_start3A_69 : memref<10240x128xf32, #tpu.memory_space<vmem_shared>>) offsets(%dma_start3A_66 : memref<64xi32, #tpu.memory_space<vmem>>) semaphore(%run_scoped3A_63 : memref<!tpu.dma_semaphore, #tpu.memory_space<semaphore_mem>>) {add = true}
        %dma_wait3A_70 = arith.constant 0 : i32
        %dma_wait3A_71 = tpu.memref_slice %arg8[%run_scoped3A, %dma_wait3A_70] : memref<32x64xi32, #tpu.memory_space<vmem>> -> memref<1x64xi32, #tpu.memory_space<vmem>>
        %dma_wait3A_72 = tpu.memref_squeeze %dma_wait3A_71 : memref<1x64xi32, #tpu.memory_space<vmem>> -> memref<64xi32, #tpu.memory_space<vmem>>
        %dma_wait3A_73 = arith.constant 0 : i32
        %dma_wait3A_74 = arith.constant 0 : i32
        %dma_wait3A_75 = tpu.memref_slice %arg13[%dma_wait3A_73, %dma_wait3A_74] : memref<10240x128xf32, #tpu.memory_space<vmem_shared>> -> memref<10240x128xf32, #tpu.memory_space<vmem_shared>>
        tpu.wait_indirect_dma semaphore(%run_scoped3A_63 : memref<!tpu.dma_semaphore, #tpu.memory_space<semaphore_mem>>) src(%arg9 : memref<64x128xf32, #tpu.memory_space<vmem>>) dst(%dma_wait3A_75 : memref<10240x128xf32, #tpu.memory_space<vmem_shared>>)
        tpu.yield
      }) : () -> ()
      %dma_wait3A_55 = arith.constant 31 : i32
      %dma_wait3A_56 = arith.constant 0 : i32
      %dma_wait3A_57 = tpu.memref_slice %arg7[%dma_wait3A_55, %dma_wait3A_56] : memref<32x64xi32, #tpu.memory_space<vmem>> -> memref<1x64xi32, #tpu.memory_space<vmem>>
      %dma_wait3A_58 = tpu.memref_squeeze %dma_wait3A_57 : memref<1x64xi32, #tpu.memory_space<vmem>> -> memref<64xi32, #tpu.memory_space<vmem>>
      %dma_wait3A_59 = arith.constant 0 : i32
      %dma_wait3A_60 = arith.constant 0 : i32
      %dma_wait3A_61 = tpu.memref_slice %arg2[%dma_wait3A_59, %dma_wait3A_60] : memref<10240x128xf32, #tpu.memory_space<hbm>> -> memref<10240x128xf32, #tpu.memory_space<hbm>>
      tpu.wait_indirect_dma semaphore(%arg12 : memref<!tpu.dma_semaphore, #tpu.memory_space<semaphore_mem>>) src(%dma_wait3A_61 : memref<10240x128xf32, #tpu.memory_space<hbm>>) dst(%arg10 : memref<64x128xf32, #tpu.memory_space<vmem>>)
      %run_scoped3A_62 = arith.constant 31 : i32
      "tpu.region"() ({
        %run_scoped3A_63 = tpu.sem_alloc : memref<!tpu.dma_semaphore, #tpu.memory_space<semaphore_mem>>
        %dma_start3A_64 = arith.constant 0 : i32
        %dma_start3A_65 = tpu.memref_slice %arg8[%run_scoped3A_62, %dma_start3A_64] : memref<32x64xi32, #tpu.memory_space<vmem>> -> memref<1x64xi32, #tpu.memory_space<vmem>>
        %dma_start3A_66 = tpu.memref_squeeze %dma_start3A_65 : memref<1x64xi32, #tpu.memory_space<vmem>> -> memref<64xi32, #tpu.memory_space<vmem>>
        %dma_start3A_67 = arith.constant 0 : i32
        %dma_start3A_68 = arith.constant 0 : i32
        %dma_start3A_69 = tpu.memref_slice %arg13[%dma_start3A_67, %dma_start3A_68] : memref<10240x128xf32, #tpu.memory_space<vmem_shared>> -> memref<10240x128xf32, #tpu.memory_space<vmem_shared>>
        tpu.enqueue_indirect_dma source(%arg10 : memref<64x128xf32, #tpu.memory_space<vmem>>) target(%dma_start3A_69 : memref<10240x128xf32, #tpu.memory_space<vmem_shared>>) offsets(%dma_start3A_66 : memref<64xi32, #tpu.memory_space<vmem>>) semaphore(%run_scoped3A_63 : memref<!tpu.dma_semaphore, #tpu.memory_space<semaphore_mem>>) {add = true}
        %dma_wait3A_70 = arith.constant 0 : i32
        %dma_wait3A_71 = tpu.memref_slice %arg8[%run_scoped3A_62, %dma_wait3A_70] : memref<32x64xi32, #tpu.memory_space<vmem>> -> memref<1x64xi32, #tpu.memory_space<vmem>>
        %dma_wait3A_72 = tpu.memref_squeeze %dma_wait3A_71 : memref<1x64xi32, #tpu.memory_space<vmem>> -> memref<64xi32, #tpu.memory_space<vmem>>
        %dma_wait3A_73 = arith.constant 0 : i32
        %dma_wait3A_74 = arith.constant 0 : i32
        %dma_wait3A_75 = tpu.memref_slice %arg13[%dma_wait3A_73, %dma_wait3A_74] : memref<10240x128xf32, #tpu.memory_space<vmem_shared>> -> memref<10240x128xf32, #tpu.memory_space<vmem_shared>>
        tpu.wait_indirect_dma semaphore(%run_scoped3A_63 : memref<!tpu.dma_semaphore, #tpu.memory_space<semaphore_mem>>) src(%arg10 : memref<64x128xf32, #tpu.memory_space<vmem>>) dst(%dma_wait3A_75 : memref<10240x128xf32, #tpu.memory_space<vmem_shared>>)
        tpu.yield
      }) : () -> ()
    }
    %barrier3A_22 = arith.constant 0 : index
    tpu.barrier barrier_id(%barrier3A_22)
    %mul3A_23 = arith.constant 640 : i32
    %mul3A_24 = arith.muli %arg1, %mul3A_23 : i32
    %mul3A_25 = arith.constant 640 : i32
    %mul3A_26 = arith.muli %arg1, %mul3A_25 : i32
    "tpu.region"() ({
      %run_scoped3A = tpu.sem_alloc : memref<!tpu.dma_semaphore, #tpu.memory_space<semaphore_mem>>
      %dma_start3A = arith.constant 0 : i32
      %dma_start3A_27 = tpu.memref_slice %arg6[%arg0, %mul3A_26, %dma_start3A] : memref<2x10240x128xf32, #tpu.memory_space<hbm>> -> memref<1x640x128xf32, #tpu.memory_space<hbm>>
      %dma_start3A_28 = tpu.memref_squeeze %dma_start3A_27 : memref<1x640x128xf32, #tpu.memory_space<hbm>> -> memref<640x128xf32, #tpu.memory_space<hbm>>
      %dma_start3A_29 = arith.constant 0 : i32
      %dma_start3A_30 = tpu.memref_slice %arg13[%mul3A_24, %dma_start3A_29] : memref<10240x128xf32, #tpu.memory_space<vmem_shared>> -> memref<640x128xf32, #tpu.memory_space<vmem_shared>>
      tpu.enqueue_dma source(%dma_start3A_30 : memref<640x128xf32, #tpu.memory_space<vmem_shared>>) target(%dma_start3A_28 : memref<640x128xf32, #tpu.memory_space<hbm>>) target_semaphore(%run_scoped3A : memref<!tpu.dma_semaphore, #tpu.memory_space<semaphore_mem>>)
      %dma_wait3A = arith.constant 0 : i32
      %dma_wait3A_31 = tpu.memref_slice %arg6[%arg0, %mul3A_26, %dma_wait3A] : memref<2x10240x128xf32, #tpu.memory_space<hbm>> -> memref<1x640x128xf32, #tpu.memory_space<hbm>>
      %dma_wait3A_32 = tpu.memref_squeeze %dma_wait3A_31 : memref<1x640x128xf32, #tpu.memory_space<hbm>> -> memref<640x128xf32, #tpu.memory_space<hbm>>
      %dma_wait3A_33 = arith.constant 0 : i32
      %dma_wait3A_34 = tpu.memref_slice %arg13[%mul3A_24, %dma_wait3A_33] : memref<10240x128xf32, #tpu.memory_space<vmem_shared>> -> memref<640x128xf32, #tpu.memory_space<vmem_shared>>
      tpu.wait_dma2 semaphore(%run_scoped3A : memref<!tpu.dma_semaphore, #tpu.memory_space<semaphore_mem>>) src(%dma_wait3A_34 : memref<640x128xf32, #tpu.memory_space<vmem_shared>>) dst(%dma_wait3A_32 : memref<640x128xf32, #tpu.memory_space<hbm>>)
      tpu.yield
    }) : () -> ()
    return
  }
}

module attributes {stable_mosaic.version = 14 : i64} {
  func.func @_scale_body(%arg0: i32, %arg1: memref<2x1024x128xf32, #tpu.memory_space<vmem>>, %arg2: memref<1024x128xf32, #tpu.memory_space<vmem>>, %arg3: memref<1024x128xf32, #tpu.memory_space<vmem>>, %arg4: memref<1024x1xf32, #tpu.memory_space<vmem>>) attributes {dimension_semantics = [#tpu.dimension_semantics<arbitrary>], iteration_bounds = array<i64: 10>, scalar_prefetch = 0 : i64, scratch_operands = 0 : i64, tpu.core_type = #tpu.core_type<tc>, window_params = [{transform_indices = @transform_0, window_bounds = array<i64: 2, 1024, 128>}, {transform_indices = @transform_1, window_bounds = array<i64: 1024, 128>}, {transform_indices = @transform_2, window_bounds = array<i64: 1024, 128>}, {transform_indices = @transform_3, window_bounds = array<i64: 1024, 1>}]} {
    %get3A = arith.constant 0 : index
    %get3A_0 = arith.constant 0 : index
    %get3A_1 = arith.constant 0 : index
    %get3A_2 = vector.load %arg1[%get3A, %get3A_0, %get3A_1] : memref<2x1024x128xf32, #tpu.memory_space<vmem>>, vector<2x1024x128xf32>
    %reduce_sum3A = arith.constant dense<0.000000e+00> : vector<1024xf32>
    %reduce_sum3A_3 = vector.multi_reduction <add>, %get3A_2, %reduce_sum3A [0, 2] : vector<2x1024x128xf32> to vector<1024xf32>
    %mul3A = arith.constant 7.812500e-03 : f32
    %mul3A_4 = vector.broadcast %mul3A : f32 to vector<1024xf32>
    %mul3A_5 = arith.mulf %reduce_sum3A_3, %mul3A_4 : vector<1024xf32>
    %max3A = arith.constant 1.000000e+00 : f32
    %max3A_6 = vector.broadcast %max3A : f32 to vector<1024xf32>
    %max3A_7 = arith.maximumf %mul3A_5, %max3A_6 : vector<1024xf32>
    %rsqrt3A = math.rsqrt %max3A_7 : vector<1024xf32>
    %broadcast_in_dim3A = vector.shape_cast %rsqrt3A : vector<1024xf32> to vector<1024x1xf32>
    %get3A_8 = arith.constant 0 : index
    %get3A_9 = arith.constant 0 : index
    %get3A_10 = vector.load %arg2[%get3A_8, %get3A_9] : memref<1024x128xf32, #tpu.memory_space<vmem>>, vector<1024x128xf32>
    %mul3A_11 = vector.broadcast %broadcast_in_dim3A : vector<1024x1xf32> to vector<1024x128xf32>
    %mul3A_12 = arith.mulf %get3A_10, %mul3A_11 : vector<1024x128xf32>
    %swap3A = arith.constant 0 : index
    %swap3A_13 = arith.constant 0 : index
    %swap3A_14 = vector.load %arg3[%swap3A, %swap3A_13] : memref<1024x128xf32, #tpu.memory_space<vmem>>, vector<1024x128xf32>
    tpu.vector_store %arg3[%swap3A, %swap3A_13], %mul3A_12 {strides = array<i32>} : memref<1024x128xf32, #tpu.memory_space<vmem>>, vector<1024x128xf32>,
    %swap3A_15 = arith.constant 0 : index
    %swap3A_16 = arith.constant 0 : index
    %swap3A_17 = vector.load %arg4[%swap3A_15, %swap3A_16] : memref<1024x1xf32, #tpu.memory_space<vmem>>, vector<1024x1xf32>
    tpu.vector_store %arg4[%swap3A_15, %swap3A_16], %broadcast_in_dim3A {strides = array<i32>} : memref<1024x1xf32, #tpu.memory_space<vmem>>, vector<1024x1xf32>,
    return
  }
  func.func @transform_0(%arg0: i32) -> (i32, i32, i32) {
    %c0_i32 = arith.constant 0 : i32
    %c0_i32_0 = arith.constant 0 : i32
    %c0_i32_1 = arith.constant 0 : i32
    return %c0_i32, %arg0, %c0_i32_0 : i32, i32, i32
  }
  func.func @transform_1(%arg0: i32) -> (i32, i32) {
    %c0_i32 = arith.constant 0 : i32
    %c0_i32_0 = arith.constant 0 : i32
    return %arg0, %c0_i32 : i32, i32
  }
  func.func @transform_2(%arg0: i32) -> (i32, i32) {
    %c0_i32 = arith.constant 0 : i32
    %c0_i32_0 = arith.constant 0 : i32
    return %arg0, %c0_i32 : i32, i32
  }
  func.func @transform_3(%arg0: i32) -> (i32, i32) {
    %c0_i32 = arith.constant 0 : i32
    %c0_i32_0 = arith.constant 0 : i32
    return %arg0, %c0_i32 : i32, i32
  }
}

module attributes {stable_mosaic.version = 14 : i64} {
  func.func @_mm_body(%arg0: i32, %arg1: memref<2x1024x128xf32, #tpu.memory_space<vmem>>, %arg2: memref<1024x1xf32, #tpu.memory_space<vmem>>, %arg3: memref<128x128xf32, #tpu.memory_space<vmem>>, %arg4: memref<1x128xf32, #tpu.memory_space<vmem>>, %arg5: memref<1024x128xf32, #tpu.memory_space<vmem>>) attributes {dimension_semantics = [#tpu.dimension_semantics<arbitrary>], iteration_bounds = array<i64: 10>, scalar_prefetch = 0 : i64, scratch_operands = 0 : i64, tpu.core_type = #tpu.core_type<tc>, window_params = [{transform_indices = @transform_0, window_bounds = array<i64: 2, 1024, 128>}, {transform_indices = @transform_1, window_bounds = array<i64: 1024, 1>}, {pipeline_mode = #tpu.pipeline_mode<synchronous>, transform_indices = @transform_2, window_bounds = array<i64: 128, 128>}, {pipeline_mode = #tpu.pipeline_mode<synchronous>, transform_indices = @transform_3, window_bounds = array<i64: 1, 128>}, {transform_indices = @transform_4, window_bounds = array<i64: 1024, 128>}]} {
    %get3A = arith.constant 0 : index
    %get3A_0 = arith.constant 0 : index
    %get3A_1 = vector.load %arg2[%get3A, %get3A_0] : memref<1024x1xf32, #tpu.memory_space<vmem>>, vector<1024x1xf32>
    %get3A_2 = arith.constant 0 : index
    %get3A_3 = arith.constant 0 : index
    %get3A_4 = arith.constant 0 : index
    %get3A_5 = vector.load %arg1[%get3A_2, %get3A_3, %get3A_4] : memref<2x1024x128xf32, #tpu.memory_space<vmem>>, vector<1x1024x128xf32>
    %get3A_6 = vector.shape_cast %get3A_5 : vector<1x1024x128xf32> to vector<1024x128xf32>
    %get3A_7 = arith.constant 1 : index
    %get3A_8 = arith.constant 0 : index
    %get3A_9 = arith.constant 0 : index
    %get3A_10 = vector.load %arg1[%get3A_7, %get3A_8, %get3A_9] : memref<2x1024x128xf32, #tpu.memory_space<vmem>>, vector<1x1024x128xf32>
    %get3A_11 = vector.shape_cast %get3A_10 : vector<1x1024x128xf32> to vector<1024x128xf32>
    %add3A = arith.addf %get3A_6, %get3A_11 : vector<1024x128xf32>
    %mul3A = vector.broadcast %get3A_1 : vector<1024x1xf32> to vector<1024x128xf32>
    %mul3A_12 = arith.mulf %add3A, %mul3A : vector<1024x128xf32>
    %get3A_13 = arith.constant 0 : index
    %get3A_14 = arith.constant 0 : index
    %get3A_15 = vector.load %arg3[%get3A_13, %get3A_14] : memref<128x128xf32, #tpu.memory_space<vmem>>, vector<128x128xf32>
    %dot_general3A = arith.constant dense<0.000000e+00> : vector<1024x128xf32>
    %dot_general3A_16 = tpu.matmul %mul3A_12, %get3A_15, %dot_general3A {dimension_numbers = #tpu.dot_dimension_numbers<[1], [0], [0], [1], [0, 0, 1, 1], [], []>, transpose_lhs_hint = false} : vector<1024x128xf32>, vector<128x128xf32>, vector<1024x128xf32> -> vector<1024x128xf32>
    %get3A_17 = arith.constant 0 : index
    %get3A_18 = arith.constant 0 : index
    %get3A_19 = vector.load %arg4[%get3A_17, %get3A_18] : memref<1x128xf32, #tpu.memory_space<vmem>>, vector<1x128xf32>
    %add3A_20 = vector.broadcast %get3A_19 : vector<1x128xf32> to vector<1024x128xf32>
    %add3A_21 = arith.addf %dot_general3A_16, %add3A_20 : vector<1024x128xf32>
    %max3A = arith.constant 0.000000e+00 : f32
    %max3A_22 = vector.broadcast %max3A : f32 to vector<1024x128xf32>
    %max3A_23 = arith.maximumf %add3A_21, %max3A_22 : vector<1024x128xf32>
    %mul3A_24 = vector.broadcast %get3A_1 : vector<1024x1xf32> to vector<1024x128xf32>
    %mul3A_25 = arith.mulf %max3A_23, %mul3A_24 : vector<1024x128xf32>
    %swap3A = arith.constant 0 : index
    %swap3A_26 = arith.constant 0 : index
    %swap3A_27 = vector.load %arg5[%swap3A, %swap3A_26] : memref<1024x128xf32, #tpu.memory_space<vmem>>, vector<1024x128xf32>
    tpu.vector_store %arg5[%swap3A, %swap3A_26], %mul3A_25 {strides = array<i32>} : memref<1024x128xf32, #tpu.memory_space<vmem>>, vector<1024x128xf32>,
    return
  }
  func.func @transform_0(%arg0: i32) -> (i32, i32, i32) {
    %c0_i32 = arith.constant 0 : i32
    %c0_i32_0 = arith.constant 0 : i32
    %c0_i32_1 = arith.constant 0 : i32
    return %c0_i32, %arg0, %c0_i32_0 : i32, i32, i32
  }
  func.func @transform_1(%arg0: i32) -> (i32, i32) {
    %c0_i32 = arith.constant 0 : i32
    %c0_i32_0 = arith.constant 0 : i32
    return %arg0, %c0_i32 : i32, i32
  }
  func.func @transform_2(%arg0: i32) -> (i32, i32) {
    %c0_i32 = arith.constant 0 : i32
    %c0_i32_0 = arith.constant 0 : i32
    %c0_i32_1 = arith.constant 0 : i32
    return %c0_i32, %c0_i32_0 : i32, i32
  }
  func.func @transform_3(%arg0: i32) -> (i32, i32) {
    %c0_i32 = arith.constant 0 : i32
    %c0_i32_0 = arith.constant 0 : i32
    %c0_i32_1 = arith.constant 0 : i32
    return %c0_i32, %c0_i32_0 : i32, i32
  }
  func.func @transform_4(%arg0: i32) -> (i32, i32) {
    %c0_i32 = arith.constant 0 : i32
    %c0_i32_0 = arith.constant 0 : i32
    return %arg0, %c0_i32 : i32, i32
  }
}

module attributes {stable_mosaic.version = 14 : i64} {
  func.func @_mm_body(%arg0: i32, %arg1: memref<2x1024x128xf32, #tpu.memory_space<vmem>>, %arg2: memref<1024x1xf32, #tpu.memory_space<vmem>>, %arg3: memref<128x128xf32, #tpu.memory_space<vmem>>, %arg4: memref<1x128xf32, #tpu.memory_space<vmem>>, %arg5: memref<1024x128xf32, #tpu.memory_space<vmem>>) attributes {dimension_semantics = [#tpu.dimension_semantics<arbitrary>], iteration_bounds = array<i64: 10>, scalar_prefetch = 0 : i64, scratch_operands = 0 : i64, tpu.core_type = #tpu.core_type<tc>, window_params = [{transform_indices = @transform_0, window_bounds = array<i64: 2, 1024, 128>}, {transform_indices = @transform_1, window_bounds = array<i64: 1024, 1>}, {pipeline_mode = #tpu.pipeline_mode<synchronous>, transform_indices = @transform_2, window_bounds = array<i64: 128, 128>}, {pipeline_mode = #tpu.pipeline_mode<synchronous>, transform_indices = @transform_3, window_bounds = array<i64: 1, 128>}, {transform_indices = @transform_4, window_bounds = array<i64: 1024, 128>}]} {
    %get3A = arith.constant 0 : index
    %get3A_0 = arith.constant 0 : index
    %get3A_1 = vector.load %arg2[%get3A, %get3A_0] : memref<1024x1xf32, #tpu.memory_space<vmem>>, vector<1024x1xf32>
    %get3A_2 = arith.constant 0 : index
    %get3A_3 = arith.constant 0 : index
    %get3A_4 = arith.constant 0 : index
    %get3A_5 = vector.load %arg1[%get3A_2, %get3A_3, %get3A_4] : memref<2x1024x128xf32, #tpu.memory_space<vmem>>, vector<1x1024x128xf32>
    %get3A_6 = vector.shape_cast %get3A_5 : vector<1x1024x128xf32> to vector<1024x128xf32>
    %get3A_7 = arith.constant 1 : index
    %get3A_8 = arith.constant 0 : index
    %get3A_9 = arith.constant 0 : index
    %get3A_10 = vector.load %arg1[%get3A_7, %get3A_8, %get3A_9] : memref<2x1024x128xf32, #tpu.memory_space<vmem>>, vector<1x1024x128xf32>
    %get3A_11 = vector.shape_cast %get3A_10 : vector<1x1024x128xf32> to vector<1024x128xf32>
    %add3A = arith.addf %get3A_6, %get3A_11 : vector<1024x128xf32>
    %mul3A = vector.broadcast %get3A_1 : vector<1024x1xf32> to vector<1024x128xf32>
    %mul3A_12 = arith.mulf %add3A, %mul3A : vector<1024x128xf32>
    %get3A_13 = arith.constant 0 : index
    %get3A_14 = arith.constant 0 : index
    %get3A_15 = vector.load %arg3[%get3A_13, %get3A_14] : memref<128x128xf32, #tpu.memory_space<vmem>>, vector<128x128xf32>
    %dot_general3A = arith.constant dense<0.000000e+00> : vector<1024x128xf32>
    %dot_general3A_16 = tpu.matmul %mul3A_12, %get3A_15, %dot_general3A {dimension_numbers = #tpu.dot_dimension_numbers<[1], [0], [0], [1], [0, 0, 1, 1], [], []>, transpose_lhs_hint = false} : vector<1024x128xf32>, vector<128x128xf32>, vector<1024x128xf32> -> vector<1024x128xf32>
    %get3A_17 = arith.constant 0 : index
    %get3A_18 = arith.constant 0 : index
    %get3A_19 = vector.load %arg4[%get3A_17, %get3A_18] : memref<1x128xf32, #tpu.memory_space<vmem>>, vector<1x128xf32>
    %add3A_20 = vector.broadcast %get3A_19 : vector<1x128xf32> to vector<1024x128xf32>
    %add3A_21 = arith.addf %dot_general3A_16, %add3A_20 : vector<1024x128xf32>
    %swap3A = arith.constant 0 : index
    %swap3A_22 = arith.constant 0 : index
    %swap3A_23 = vector.load %arg5[%swap3A, %swap3A_22] : memref<1024x128xf32, #tpu.memory_space<vmem>>, vector<1024x128xf32>
    tpu.vector_store %arg5[%swap3A, %swap3A_22], %add3A_21 {strides = array<i32>} : memref<1024x128xf32, #tpu.memory_space<vmem>>, vector<1024x128xf32>,
    return
  }
  func.func @transform_0(%arg0: i32) -> (i32, i32, i32) {
    %c0_i32 = arith.constant 0 : i32
    %c0_i32_0 = arith.constant 0 : i32
    %c0_i32_1 = arith.constant 0 : i32
    return %c0_i32, %arg0, %c0_i32_0 : i32, i32, i32
  }
  func.func @transform_1(%arg0: i32) -> (i32, i32) {
    %c0_i32 = arith.constant 0 : i32
    %c0_i32_0 = arith.constant 0 : i32
    return %arg0, %c0_i32 : i32, i32
  }
  func.func @transform_2(%arg0: i32) -> (i32, i32) {
    %c0_i32 = arith.constant 0 : i32
    %c0_i32_0 = arith.constant 0 : i32
    %c0_i32_1 = arith.constant 0 : i32
    return %c0_i32, %c0_i32_0 : i32, i32
  }
  func.func @transform_3(%arg0: i32) -> (i32, i32) {
    %c0_i32 = arith.constant 0 : i32
    %c0_i32_0 = arith.constant 0 : i32
    %c0_i32_1 = arith.constant 0 : i32
    return %c0_i32, %c0_i32_0 : i32, i32
  }
  func.func @transform_4(%arg0: i32) -> (i32, i32) {
    %c0_i32 = arith.constant 0 : i32
    %c0_i32_0 = arith.constant 0 : i32
    return %arg0, %c0_i32 : i32, i32
  }
}

</mosaic_0001>

<sc_bundles>
// kernel: kernel.11.cloned.1.call-start
scs
__scs_entry_jumppad:
0x0: {  	(pc) =	sbr.rel $0x88, $3  }
0x1: {  	(tag) =	ssettag $0x0;
	lr =	simm.s32 $0x1  }
0x2: {  	[smem:$0x3F9B] =	sst lr;
	_ =	strace $0xD0000000  }
0x3: {  	_ = 	snop  }
0x4: {  	_ = 	snop  }
0x5: {  	_ = 	snop  }
0x6: {  	_ = 	snop  }
0x7: {  	_ = 	snop  }
__scs_overlays_trampoline_lowered:
0x8: {  	[smem:$0x3FAA] =	sst s0  }
0x9: {  	[smem:$0x3FAB] =	sst s1  }
0xa: {  	[smem:$0x3FAC] =	sst s2  }
0xb: {  	[smem:$0x3FAD] =	sst s3  }
0xc: {  	[smem:$0x3FAE] =	sst s4  }
0xd: {  	[smem:$0x3FAF] =	sst s5  }
0xe: {  	[smem:$0x3FB0] =	sst s6  }
0xf: {  	[smem:$0x3FB1] =	sst s7  }
0x10: {  	[smem:$0x3FB2] =	sst s8  }
0x11: {  	[smem:$0x3FB3] =	sst s9;
	s0 =	simm.s32 @!p0 $0x0  }
0x12: {  	s1 =	sld [smem:$0x3F99];
	s0 =	simm.s32 @p0 $0x1  }
0x13: {  	[smem:$0x3FB4] =	sst s0;
	s0 =	simm.s32 @!p1 $0x0  }
0x14: {  	s2 =	sld [smem:$0x3F98];
	s0 =	simm.s32 @p1 $0x1  }
0x15: {  	[smem:$0x3FB5] =	sst s0;
	s0 =	simm.s32 @!p2 $0x0  }
0x16: {  	s3 =	sld [smem:$0x3FDB];
	s0 =	simm.s32 @p2 $0x1  }
0x17: {  	s4 =	simm.s32 $0x1BF5;
	[smem:$0x3FB7] =	sst s0  }
0x18: {  	s0 =	sld [smem:$0x3F9A];
	_ =	swait.ge [sflag:s4], $0x0  }
0x19: {  	s7 =	sld [smem:$0x3F9B]  }
0x1a: {  	s8 =	sadd.s32 $0xFFFFE003, lr  }
0x1b: {  	s9 =	sadd.s32 $0xFFFFFEF7, lr;
	s5 =	simm.s32 $0xFFFFFFFF;
	p2 =	slt.u32 s8, $0xFFFFF086  }
0x1c: {  	p1 =	slt.u32 s9, $0xF7A;
	s5 =	simm.s32 @!p2 $0x0  }
0x1d: {  	s5 =	simm.s32 @p1 $0x1;
	p0 =	seq.s32 s7, s2  }
0x1e: {  	s7 =	smul.u32 @!p0 $0xF7A, s2;
	p2 =	seq.s32 @!p0 s5, $0x0  }
0x1f: {  	s9 =	smul.u32 $0xF7A, s1;
	s8 =	simm.s32 @!p0 $0x1BF5;
	p2 =	por !p2, p0  }
0x20: {  	[sflag:s8] =	ssyncset.s32 @!p0 $0xFFFFF086;
	s6 =	sadd.s32 @!p0 s3, s7;
	s7 =	simm.s32 @!p0 $0x108  }
0x21: {  	s3 =	sadd.s32 s3, s9;
	s6 =	sadd.s32 @!p0 $0x88, s6;
	s7 =	simm.s32 @p2 $0x1082  }
0x22: {  	[simem:s7], [sflag:s8] =	dma.local @!p0 [hbm:s6], $0xF7A  }
0x23: {  	s9 =	sor.u32 $0xD0000000, s2;
	s6 =	simm.s32 $0x108;
	_ =	swait.ge @!p0 [sflag:s8], $0x0  }
0x24: {  	s3 =	sadd.s32 $0x88, s3;
	s6 =	simm.s32 @!p1 $0x1082;
	[sflag:s4] =	ssyncset.s32 $0xFFFFF086  }
0x25: {  	[simem:s6], [sflag:s4] =	dma.local [hbm:s3], $0xF7A  }
0x26: {  	[smem:$0x3F9B] =	sst s1;
	(tag) =	ssettag s2;
	_ =	strace s9  }
0x27: {  	s1 =	sld [smem:$0x3FAB]  }
0x28: {  	s2 =	sld [smem:$0x3FAC]  }
0x29: {  	s4 =	sld [smem:$0x3FAE]  }
0x2a: {  	p0 =	seq.s32 s5, $0x0;
	s5 =	sld [smem:$0x3FAF]  }
0x2b: {  	s6 =	sld [smem:$0x3FB0]  }
0x2c: {  	s7 =	sld [smem:$0x3FB1]  }
0x2d: {  	s3 =	simm.s32 $0x108;
	s8 =	sld [smem:$0x3FB2]  }
0x2e: {  	s3 =	simm.s32 @!p0 $0x1082;
	s9 =	sld [smem:$0x3FB3]  }
0x2f: {  	lr =	sadd.s32 s0, s3;
	s0 =	sld [smem:$0x3FAA]  }
0x30: {  	s3 =	sld [smem:$0x3FAD]  }
0x31: {  	[smem:$0x3FB6] =	sst s10  }
0x32: {  	s10 =	sld [smem:$0x3FB4];
	_ =	sdelay $0x3  }
0x33: {  	p0 =	seq.s32 s10, $0x1;
	s10 =	sld [smem:$0x3FB6];
	_ =	sdelay $0x3  }
0x34: {  	[smem:$0x3FB6] =	sst s10  }
0x35: {  	s10 =	sld [smem:$0x3FB5];
	_ =	sdelay $0x3  }
0x36: {  	p1 =	seq.s32 s10, $0x1;
	s10 =	sld [smem:$0x3FB6];
	_ =	sdelay $0x3  }
0x37: {  	[smem:$0x3FB6] =	sst s10  }
0x38: {  	s10 =	sld [smem:$0x3FB7]  }
0x39: {  	_ = 	snop;
	(pc) =	sbr.ind lr, $3  }
0x3a: {  	_ = 	snop  }
0x3b: {  	_ = 	snop  }
0x3c: {  	p2 =	seq.s32 s10, $0x1;
	s10 =	sld [smem:$0x3FB6]  }
0x3d: {  	_ =	shalt  }
0x3e: {  	_ =	shalt  }
0x3f: {  	_ =	shalt  }
0x40: {  	_ =	shalt  }
0x41: {  	_ =	shalt  }
0x42: {  	_ =	shalt  }
0x43: {  	_ =	shalt  }
0x44: {  	_ =	shalt  }
0x45: {  	_ =	shalt  }
0x46: {  	_ =	shalt  }
0x47: {  	_ =	shalt  }
0x48: {  	_ =	shalt  }
0x49: {  	_ =	shalt  }
0x4a: {  	_ =	shalt  }
0x4b: {  	_ =	shalt  }
0x4c: {  	_ =	shalt  }
0x4d: {  	_ =	shalt  }
0x4e: {  	_ =	shalt  }
0x4f: {  	_ =	shalt  }
0x50: {  	_ =	shalt  }
0x51: {  	_ =	shalt  }
0x52: {  	_ =	shalt  }
0x53: {  	_ =	shalt  }
0x54: {  	_ =	shalt  }
0x55: {  	_ =	shalt  }
0x56: {  	_ =	shalt  }
0x57: {  	_ =	shalt  }
0x58: {  	_ =	shalt  }
0x59: {  	_ =	shalt  }
0x5a: {  	_ =	shalt  }
0x5b: {  	_ =	shalt  }
0x5c: {  	_ =	shalt  }
0x5d: {  	_ =	shalt  }
0x5e: {  	_ =	shalt  }
0x5f: {  	_ =	shalt  }
0x60: {  	_ =	shalt  }
0x61: {  	_ =	shalt  }
0x62: {  	_ =	shalt  }
0x63: {  	_ =	shalt  }
0x64: {  	_ =	shalt  }
0x65: {  	_ =	shalt  }
0x66: {  	_ =	shalt  }
0x67: {  	_ =	shalt  }
0x68: {  	_ =	shalt  }
0x69: {  	_ =	shalt  }
0x6a: {  	_ =	shalt  }
0x6b: {  	_ =	shalt  }
0x6c: {  	_ =	shalt  }
0x6d: {  	_ =	shalt  }
0x6e: {  	_ =	shalt  }
0x6f: {  	_ =	shalt  }
0x70: {  	_ =	shalt  }
0x71: {  	_ =	shalt  }
0x72: {  	_ =	shalt  }
0x73: {  	_ =	shalt  }
0x74: {  	_ =	shalt  }
0x75: {  	_ =	shalt  }
0x76: {  	_ =	shalt  }
0x77: {  	_ =	shalt  }
0x78: {  	_ =	shalt  }
0x79: {  	_ =	shalt  }
0x7a: {  	_ =	shalt  }
0x7b: {  	_ =	shalt  }
0x7c: {  	_ =	shalt  }
0x7d: {  	_ =	shalt  }
0x7e: {  	_ =	shalt  }
0x7f: {  	_ =	shalt  }
0x80: {  	_ =	shalt  }
0x81: {  	_ =	shalt  }
0x82: {  	_ =	shalt  }
0x83: {  	_ =	shalt  }
0x84: {  	_ =	shalt  }
0x85: {  	_ =	shalt  }
0x86: {  	_ =	shalt  }
0x87: {  	_ =	shalt  }
.Lfunc_end0:
.L_simem_size_0:
called_computation.1_lowered:
.L_overlay_start_0:
0x88: {  	s2 =	sld [smem:$0x3FD9]  }
0x89: {  	s3 =	sld [smem:$0x3FFE];
	_ =	sdelay $0x1  }
0x8a: {  	s1 =	srdreg.scid  }
0x8b: {  	s0 =	sand.u32 $0x1, s1  }
0x8c: {  	s17 =	sshll.u32 s0, $0xA;
	s2 =	sadd.s32 s3, s2  }
0x8d: {  	s2 =	sadd.s32 s2, s17  }
0x8e: {  	[smem:$0x3FC2] =	sst s2  }
0x8f: {  	_ = 	snop  }
0x90: {  	s2 =	sld [smem:$0x3FD0];
	(tm) =	ssettm $0x1  }
0x91: {  	s18 =	sld [smem:$0x3FFB];
	_ =	sdelay $0x3  }
0x92: {  	_ =	strace s18  }
0x93: {  	s3 =	sld [smem:$0x3FFC];
	_ =	sdelay $0x3  }
0x94: {  	_ =	strace s3  }
0x95: {  	s3 =	sld [smem:$0x3FFD];
	_ =	sdelay $0x3  }
0x96: {  	_ =	strace s3  }
0x97: {  	_ =	strace $0x8FFFFFFF  }
0x98: {  	s19 =	sld [smem:$0x3FDB];
	_ =	sdelay $0x1  }
0x99: {  	s4 =	simm.s32 $_scs_section_size  }
0x9a: {  	s5 =	simm.s32 $_size__tile_overlayer_lowered;
	s6 =	simm.s32 $_tile_overlayer_lowered  }
0x9b: {  	s22 =	simm.s32 $0x1BFF;
	s21 =	sshll.u32 s6, $0x1;
	s3 =	sadd.s32 s4, s19  }
0x9c: {  	s7 =	simm.s32 $0x0;
	s20 =	sshll.u32 s5, $0x1;
	s5 =	sadd.s32 s21, s3  }
0x9d: {  	[timem:s7], [sflag:s22] =	dma.local [hbm:s5], s20  }
0x9e: {  	_ =	swait.ge [sflag:s22], s20  }
0x9f: {  	s4 =	ssub.s32 $0x0, s20;
	[sflag:s22] =	ssyncset.done $0x0  }
0xa0: {  	[sflag:s22] =	ssyncadd.s32 s4;
	_ =	sdelay $0x1  }
0xa1: {  	s23 =	simm.s32 $0x1B8B  }
0xa2: {  	_ =	swait.ge [sflag:s23], $0x1  }
0xa3: {  	[sflag:s23] =	ssyncset.done $0x0  }
0xa4: {  	s25 =	simm.s32 $0x1B8E;
	s24 =	sld [smem:$0x3FFE];
	[sflag:s23] =	ssyncadd.s32 $0xFFFFFFFF  }
0xa5: {  	s26 =	simm.s32 $execute0_lowered;
	[smem:$0x3FD2] =	sst s25  }
0xa6: {  	s5 =	sshll.u32 s26, $0x1;
	_ =	strace $0x80000049;
	[dreg:$0x1] =	wrdreg $0xFFFFFFFF  }
0xa7: {  	s28 =	simm.s32 $_size_execute0_lowered;
	s3 =	sadd.s32 s3, s5;
	[dreg:$0x0] =	wrdreg $0x0  }
0xa8: {  	s5 =	sshll.u32 s28, $0x1;
	[dreg:$0x2] =	wrdreg s3  }
0xa9: {  	[dreg:$0x3] =	wrdreg s5  }
0xaa: {  	[dreg:$0x4] =	wrdreg $0xC0  }
0xab: {  	_ =	task [dreg:s7], $0x5FFFF  }
0xac: {  	[dreg:$0x1] =	wrdreg $0xFFFFFFFF  }
0xad: {  	[dreg:$0x0] =	wrdreg $0x60  }
0xae: {  	[dreg:$0x2] =	wrdreg s24  }
0xaf: {  	[dreg:$0x3] =	wrdreg s2  }
0xb0: {  	[dreg:$0x4] =	wrdreg $0x60000  }
0xb1: {  	[dreg:$0x5] =	wrdreg $0x9  }
0xb2: {  	_ =	task.clear_ibuf [dreg:s7], $0x6FFFF;
	_ =	strace $0x90000049  }
0xb3: {  	s29 =	simm.s32 $0x9;
	_ =	strace $0x8000004B  }
0xb4: {  	_ =	swait.ge [sflag:s29], $0x1  }
0xb5: {  	[sflag:s29] =	ssyncadd.s32 $0xFFFFFFFF  }
0xb6: {  	_ =	strace $0x9000004B  }
0xb7: {  	_ =	sfence  }
0xb8: {  	s30 =	sld [smem:$0x0];
	_ =	sdelay $0x2  }
0xb9: {  	s31 =	sshll.u32 s1, $0xD;
	s1 =	sshrl.u32 s1, $0x2  }
0xba: {  	s3 =	sand.u32 $0x4000, s31;
	s1 =	sadd.s32 s1, s30  }
0xbb: {  	s0 =	sor.u32 s3, s0;
	s1 =	sshll.u32 s1, $0x11  }
0xbc: {  	s0 =	sor.u32 s1, s0  }
0xbd: {  	s0 =	sadd.s32 $0x8F2B, s0  }
0xbe: {  	[sflag:s0] =	ssyncadd.remote.s32 $0x1  }
0xbf: {  	_ =	sfence.sel $0xFFFF  }
0xc0: {  	[dreg:$0x0] =	wrdreg $0xFFFFFFFF;
	(pc) =	sbr.abs _section_cstart, $3  }
0xc1: {  	[dreg:$0x1] =	wrdreg $0xFFFFFFFF  }
0xc2: {  	_ =	task.clear_ibuf [dreg:s7], $0x2FFFF;
	_ =	strace $0x9FFFFFFF  }
0xc3: {  	(tm) =	ssettm $0x7FFFFFFF  }
tec
execute0_lowered:
.L_overlay_start_1:
0x0: {  	(tag) =	ssettag $0x1  }
0x1: {  	s7 =	rddreg [dreg:$0x0]  }
0x2: {  	s2 =	rddreg [dreg:$0x1]  }
0x3: {  	s3 =	rddreg [dreg:$0x2]  }
0x4: {  	s0 =	rddreg [dreg:$0x3];
	s4 =	simm.s32 $0x0;
	s1 =	stileid.u32  }
0x5: {  	s5 =	srdreg.scid;
	s16 =	simm.s32 $0x40;
	s17 =	simm.s32 $0x2000  }
0x6: {  	s18 =	simm.s32 $0x80;
	s19 =	simm.s32 $0x4000;
	s20 =	simm.s32 $0x1  }
0x7: {  	s21 =	simm.s32 $0x2;
	s22 =	simm.s32 $0x1F00;
	s23 =	simm.s32 $0x1F80  }
0x8: {  	[smem:$0x7FF] =	sst s4;
	s8 =	smul.u32 $0x14000, s1;
	s9 =	sand.u32 $0x1, s5  }
0x9: {  	s5 =	sadd.s32 $0x29E00, s7;
	s6 =	sadd.s32 $0x7A200, s7;
	s12 =	smul.u32 $0x50000, s1  }
0xa: {  	s30 =	sshll.u32 s1, $0x6;
	s31 =	sshll.u32 s1, $0xD;
	_ =	strace $0x8000004A  }
0xb: {  	s10 =	smul.u32 $0x140000, s9;
	s28 =	ssub.s32 $0x2, s9;
	p0 =	seq.s32 s9, $0x0  }
0xc: {  	s9 =	simm.s32 $0x8;
	s11 =	sshrl.u32 s8, $0x3;
	s13 =	sshrl.u32 s28, $0x1  }
0xd: {  	s29 =	sshrl.u32 s12, $0x2;
	s9 =	simm.s32 @!p0 $0x2;
	s8 =	sadd.s32 s8, s10  }
0xe: {  	s11 =	sadd.s32 s11, s7;
	s13 =	ssub.s32 s28, s13;
	s15 =	sadd.s32 s29, s3  }
0xf: {  	s10 =	sor.u32 $0x80000, s31;
	s8 =	sshrl.u32 s8, $0x3;
	s12 =	smax.u32 s13, $0x1  }
0x10: {  	s13 =	sshrl.u32 s15, $0x3;
	s15 =	simm.s32 $0x1000;
	s14 =	sadd.s32 s8, s7  }
0x11: {  	s7 =	sadd.s32 $0x1E00, s11;
	s8 =	sor.u32 $0x1C03, s30;
	s11 =	sshll.u32 s1, $0xF  }
0x12: {  	s10 =	smov.u32 @p0 s11;
	s11 =	sadd.s32 $0x8E200, s14;
	s14 =	simm.s32 $0x3  }
.LBB2_1:
0x13: {  	[spmem:s13], [sflag:s8] =	dma.local [hbm:s7], $0x2800  }
0x14: {  	_ =	swait.ge [sflag:s14], $0x2800  }
0x15: {  	[sflag:s14] =	ssyncset.done $0x0  }
0x16: {  	[sflag:s14] =	ssyncadd.s32 $0xFFFFD800  }
0x17: {  	s24 =	simm.s32 $0x0;
	[bflag:$0x0] =	sbarrier.arrive $0xFFFF  }
.LBB2_2:
0x18: {  	s25 =	sshll.u32 s24, $0xC  }
0x19: {  	s25 =	sadd.s32 s10, s25  }
0x1a: {  	s25 =	sshrl.u32 s25, $0x3  }
0x1b: {  	s28 =	simm.s32 $0x0;
	s26 =	sadd.s32 s6, s25  }
0x1c: {  	[tilespmem:s28], [sflag:$0x3] =	stream.linear.gather [hbm4b:s26+s28], $0x1000, $0x38;
	[tilespmem:$0x1A000] =	vst v63  }
0x1d: {  	_ =	swait.ge [sflag:s14], $0x1000  }
0x1e: {  	[sflag:s14] =	ssyncset.done $0x0  }
0x1f: {  	s25 =	sadd.s32 s2, s25;
	[sflag:s14] =	ssyncadd.s32 $0xFFFFF000  }
0x20: {  	[tilespmem:s15], [sflag:$0x3] =	stream.linear.gather [hbm4b:s25+s28], $0x1000, $0x38;
	[tilespmem:$0x1A000] =	vst v63  }
0x21: {  	_ =	swait.ge [sflag:s14], $0x1000  }
0x22: {  	[sflag:s14] =	ssyncset.done $0x0  }
0x23: {  	[sflag:s14] =	ssyncadd.s32 $0xFFFFF000  }
0x24: {  	[tilespmem:s17], [sflag:$0x1] =	stream.indirect.gather [hbm4b:s5+s16], $0x80, s28, s16, $0xb8;
	[tilespmem:$0x1A000] =	vst v63  }
0x25: {  	_ = 	snop  }
0x26: {  	[tilespmem:s19], [sflag:$0x2] =	stream.indirect.gather [hbm4b:s5+s16], $0x80, s18, s16, $0xb8;
	[tilespmem:$0x1A000] =	vst v63  }
0x27: {  	_ =	swait.ge [sflag:s20], $0x2000  }
0x28: {  	[sflag:s20] =	ssyncset.done $0x0  }
0x29: {  	s29 =	simm.s32 $0x1000;
	[sflag:s20] =	ssyncadd.s32 $0xFFFFE000  }
0x2a: {  	[spmem:s3] =	stream.indirect.scatter.add.f32 [tilespmem:s17], [sflag:$0x3], $0x80, s29, s16, $0xb8;
	[tilespmem:$0x1A000] =	vst v63  }
0x2b: {  	_ =	swait.ge [sflag:s14], $0x2000  }
0x2c: {  	[sflag:s14] =	ssyncset.done $0x0  }
0x2d: {  	s30 =	simm.s32 $0x100;
	[sflag:s14] =	ssyncadd.s32 $0xFFFFE000  }
0x2e: {  	[tilespmem:s17], [sflag:$0x1] =	stream.indirect.gather [hbm4b:s5+s16], $0x80, s30, s16, $0xb8;
	[tilespmem:$0x1A000] =	vst v63  }
0x2f: {  	_ =	swait.ge [sflag:s21], $0x2000  }
0x30: {  	[sflag:s21] =	ssyncset.done $0x0  }
0x31: {  	s31 =	simm.s32 $0x1080;
	[sflag:s21] =	ssyncadd.s32 $0xFFFFE000  }
0x32: {  	[spmem:s3] =	stream.indirect.scatter.add.f32 [tilespmem:s19], [sflag:$0x3], $0x80, s31, s16, $0xb8;
	[tilespmem:$0x1A000] =	vst v63  }
0x33: {  	_ =	swait.ge [sflag:s14], $0x2000  }
0x34: {  	[sflag:s14] =	ssyncset.done $0x0  }
0x35: {  	s26 =	simm.s32 $0x180;
	s25 =	simm.s32 $0x400;
	[sflag:s14] =	ssyncadd.s32 $0xFFFFE000  }
.LBB2_3:
0x36: {  	[tilespmem:s19], [sflag:$0x2] =	stream.indirect.gather [hbm4b:s5+s16], $0x80, s26, s16, $0xb8;
	[tilespmem:$0x1A000] =	vst v63  }
0x37: {  	s26 =	smov.u32 s25  }
0x38: {  	p0 =	sne.s32 s25, $0x3800;
	s25 =	sadd.s32 $0x400, s25;
	_ =	swait.ge [sflag:s20], $0x2000  }
0x39: {  	s26 =	sshra.s32 s26, $0x2;
	[sflag:s20] =	ssyncset.done $0x0  }
0x3a: {  	s28 =	sadd.s32 $0x1000, s26;
	[sflag:s20] =	ssyncadd.s32 $0xFFFFE000  }
0x3b: {  	[spmem:s3] =	stream.indirect.scatter.add.f32 [tilespmem:s17], [sflag:$0x3], $0x80, s28, s16, $0xb8;
	[tilespmem:$0x1A000] =	vst v63  }
0x3c: {  	_ =	swait.ge [sflag:s14], $0x2000  }
0x3d: {  	[sflag:s14] =	ssyncset.done $0x0  }
0x3e: {  	s28 =	sadd.s32 $0x100, s26;
	[sflag:s14] =	ssyncadd.s32 $0xFFFFE000  }
0x3f: {  	[tilespmem:s17], [sflag:$0x1] =	stream.indirect.gather [hbm4b:s5+s16], $0x80, s28, s16, $0xb8;
	[tilespmem:$0x1A000] =	vst v63  }
0x40: {  	_ =	swait.ge [sflag:s21], $0x2000  }
0x41: {  	[sflag:s21] =	ssyncset.done $0x0  }
.Ltmp0:
0x42: {  	s28 =	sadd.s32 $0x1080, s26;
	[sflag:s21] =	ssyncadd.s32 $0xFFFFE000;
	(pc) =	sbr.rel @p0 .LBB2_3-.Ltmp0, $4  }
0x43: {  	[spmem:s3] =	stream.indirect.scatter.add.f32 [tilespmem:s19], [sflag:$0x3], $0x80, s28, s16, $0xb8;
	[tilespmem:$0x1A000] =	vst v63  }
0x44: {  	_ =	swait.ge [sflag:s14], $0x2000  }
0x45: {  	[sflag:s14] =	ssyncset.done $0x0  }
0x46: {  	s26 =	sadd.s32 $0x180, s26;
	[sflag:s14] =	ssyncadd.s32 $0xFFFFE000  }
0x47: {  	[tilespmem:s19], [sflag:$0x2] =	stream.indirect.gather [hbm4b:s5+s16], $0x80, s26, s16, $0xb8;
	[tilespmem:$0x1A000] =	vst v63  }
0x48: {  	_ =	swait.ge [sflag:s20], $0x2000  }
0x49: {  	[sflag:s20] =	ssyncset.done $0x0  }
0x4a: {  	[sflag:s20] =	ssyncadd.s32 $0xFFFFE000  }
0x4b: {  	[spmem:s3] =	stream.indirect.scatter.add.f32 [tilespmem:s17], [sflag:$0x3], $0x80, s22, s16, $0xb8;
	[tilespmem:$0x1A000] =	vst v63  }
0x4c: {  	_ =	swait.ge [sflag:s14], $0x2000  }
0x4d: {  	[sflag:s14] =	ssyncset.done $0x0  }
0x4e: {  	[sflag:s14] =	ssyncadd.s32 $0xFFFFE000  }
0x4f: {  	s24 =	sadd.s32 $0x1, s24;
	_ =	swait.ge [sflag:s21], $0x2000  }
0x50: {  	p0 =	sne.s32 s24, s9;
	[sflag:s21] =	ssyncset.done $0x0  }
.Ltmp1:
0x51: {  	[sflag:s21] =	ssyncadd.s32 $0xFFFFE000;
	(pc) =	sbr.rel @p0 .LBB2_2-.Ltmp1, $4  }
0x52: {  	[spmem:s3] =	stream.indirect.scatter.add.f32 [tilespmem:s19], [sflag:$0x3], $0x80, s23, s16, $0xb8;
	[tilespmem:$0x1A000] =	vst v63  }
0x53: {  	_ =	swait.ge [sflag:s14], $0x2000  }
0x54: {  	[sflag:s14] =	ssyncset.done $0x0  }
0x55: {  	[sflag:s14] =	ssyncadd.s32 $0xFFFFE000  }
0x56: {  	s4 =	sadd.s32 $0x1, s4  }
0x57: {  	p0 =	sne.s32 s4, s12  }
.Ltmp2:
0x58: {  	[bflag:$0x0] =	sbarrier.arrive $0xFFFF;
	(pc) =	sbr.rel @p0 .LBB2_1-.Ltmp2, $4  }
0x59: {  	[hbm:s11], [sflag:s8] =	dma.local [spmem:s13], $0x2800  }
0x5a: {  	_ =	swait.ge [sflag:s14], $0x2800  }
0x5b: {  	[sflag:s14] =	ssyncset.done $0x0  }
0x5c: {  	[sflag:s14] =	ssyncadd.s32 $0xFFFFD800  }
0x5d: {  	_ =	sfence.sel $0x180000  }
0x5e: {  	[bflag:$0x0] =	sbarrier.arrive $0xFFFF  }
0x5f: {  	p0 =	sne.s32 s1, $0x0;
	_ =	strace $0x9000004A  }
0x60: {  	s0 =	sadd.s32 @!p0 $0x100000, s0;
	[bflag:$0x2] =	sbarrier.arrive $0xFFFF  }
0x61: {  	[sflag:s0] =	ssyncadd.tile.s32 @!p0 $0x1;
	_ =	shalt  }
.Lfunc_end2:
_tile_overlayer_lowered:
.L_overlay_start_2:
0x62: {  	(tag) =	ssettag $0x2  }
0x63: {  	s0 =	rddreg [dreg:$0x0];
	s2 =	stileid.u32  }
0x64: {  	s1 =	rddreg [dreg:$0x1];
	p0 =	sne.s32 s2, $0x0  }
0x65: {  	s3 =	rddreg [dreg:$0x2];
	[bflag:$0x3] =	sbarrier.arrive $0xFFFF;
	s2 =	simm.s32 @!p0 $0x1C03  }
0x66: {  	[timem:s3], [sflag:s2] =	dma.local @!p0 [hbm:s0], s1  }
0x67: {  	s0 =	simm.s32 @!p0 $0x3  }
0x68: {  	_ =	swait.ge @!p0 [sflag:s0], s1  }
0x69: {  	s1 =	ssub.s32 @!p0 $0x0, s1;
	[sflag:s0] =	ssyncset.done @!p0 $0x0  }
0x6a: {  	[sflag:s0] =	ssyncadd.s32 @!p0 s1  }
0x6b: {  	[bflag:$0x3] =	sbarrier.arrive $0xFFFF  }
0x6c: {  	_ =	shalt  }

// kernel: kernel.14.cloned.1.call-start
scs
__scs_entry_jumppad:
0x0: {  	(pc) =	sbr.rel $0x88, $3  }
0x1: {  	(tag) =	ssettag $0x0;
	lr =	simm.s32 $0x1  }
0x2: {  	[smem:$0x3F9B] =	sst lr;
	_ =	strace $0xD0000000  }
0x3: {  	_ = 	snop  }
0x4: {  	_ = 	snop  }
0x5: {  	_ = 	snop  }
0x6: {  	_ = 	snop  }
0x7: {  	_ = 	snop  }
__scs_overlays_trampoline_lowered:
0x8: {  	[smem:$0x3FAA] =	sst s0  }
0x9: {  	[smem:$0x3FAB] =	sst s1  }
0xa: {  	[smem:$0x3FAC] =	sst s2  }
0xb: {  	[smem:$0x3FAD] =	sst s3  }
0xc: {  	[smem:$0x3FAE] =	sst s4  }
0xd: {  	[smem:$0x3FAF] =	sst s5  }
0xe: {  	[smem:$0x3FB0] =	sst s6  }
0xf: {  	[smem:$0x3FB1] =	sst s7  }
0x10: {  	[smem:$0x3FB2] =	sst s8  }
0x11: {  	[smem:$0x3FB3] =	sst s9;
	s0 =	simm.s32 @!p0 $0x0  }
0x12: {  	s1 =	sld [smem:$0x3F99];
	s0 =	simm.s32 @p0 $0x1  }
0x13: {  	[smem:$0x3FB4] =	sst s0;
	s0 =	simm.s32 @!p1 $0x0  }
0x14: {  	s2 =	sld [smem:$0x3F98];
	s0 =	simm.s32 @p1 $0x1  }
0x15: {  	[smem:$0x3FB5] =	sst s0;
	s0 =	simm.s32 @!p2 $0x0  }
0x16: {  	s3 =	sld [smem:$0x3FDB];
	s0 =	simm.s32 @p2 $0x1  }
0x17: {  	s4 =	simm.s32 $0x1BF5;
	[smem:$0x3FB7] =	sst s0  }
0x18: {  	s0 =	sld [smem:$0x3F9A];
	_ =	swait.ge [sflag:s4], $0x0  }
0x19: {  	s7 =	sld [smem:$0x3F9B]  }
0x1a: {  	s8 =	sadd.s32 $0xFFFFE003, lr  }
0x1b: {  	s9 =	sadd.s32 $0xFFFFFEF7, lr;
	s5 =	simm.s32 $0xFFFFFFFF;
	p2 =	slt.u32 s8, $0xFFFFF086  }
0x1c: {  	p1 =	slt.u32 s9, $0xF7A;
	s5 =	simm.s32 @!p2 $0x0  }
0x1d: {  	s5 =	simm.s32 @p1 $0x1;
	p0 =	seq.s32 s7, s2  }
0x1e: {  	s7 =	smul.u32 @!p0 $0xF7A, s2;
	p2 =	seq.s32 @!p0 s5, $0x0  }
0x1f: {  	s9 =	smul.u32 $0xF7A, s1;
	s8 =	simm.s32 @!p0 $0x1BF5;
	p2 =	por !p2, p0  }
0x20: {  	[sflag:s8] =	ssyncset.s32 @!p0 $0xFFFFF086;
	s6 =	sadd.s32 @!p0 s3, s7;
	s7 =	simm.s32 @!p0 $0x108  }
0x21: {  	s3 =	sadd.s32 s3, s9;
	s6 =	sadd.s32 @!p0 $0x88, s6;
	s7 =	simm.s32 @p2 $0x1082  }
0x22: {  	[simem:s7], [sflag:s8] =	dma.local @!p0 [hbm:s6], $0xF7A  }
0x23: {  	s9 =	sor.u32 $0xD0000000, s2;
	s6 =	simm.s32 $0x108;
	_ =	swait.ge @!p0 [sflag:s8], $0x0  }
0x24: {  	s3 =	sadd.s32 $0x88, s3;
	s6 =	simm.s32 @!p1 $0x1082;
	[sflag:s4] =	ssyncset.s32 $0xFFFFF086  }
0x25: {  	[simem:s6], [sflag:s4] =	dma.local [hbm:s3], $0xF7A  }
0x26: {  	[smem:$0x3F9B] =	sst s1;
	(tag) =	ssettag s2;
	_ =	strace s9  }
0x27: {  	s1 =	sld [smem:$0x3FAB]  }
0x28: {  	s2 =	sld [smem:$0x3FAC]  }
0x29: {  	s4 =	sld [smem:$0x3FAE]  }
0x2a: {  	p0 =	seq.s32 s5, $0x0;
	s5 =	sld [smem:$0x3FAF]  }
0x2b: {  	s6 =	sld [smem:$0x3FB0]  }
0x2c: {  	s7 =	sld [smem:$0x3FB1]  }
0x2d: {  	s3 =	simm.s32 $0x108;
	s8 =	sld [smem:$0x3FB2]  }
0x2e: {  	s3 =	simm.s32 @!p0 $0x1082;
	s9 =	sld [smem:$0x3FB3]  }
0x2f: {  	lr =	sadd.s32 s0, s3;
	s0 =	sld [smem:$0x3FAA]  }
0x30: {  	s3 =	sld [smem:$0x3FAD]  }
0x31: {  	[smem:$0x3FB6] =	sst s10  }
0x32: {  	s10 =	sld [smem:$0x3FB4];
	_ =	sdelay $0x3  }
0x33: {  	p0 =	seq.s32 s10, $0x1;
	s10 =	sld [smem:$0x3FB6];
	_ =	sdelay $0x3  }
0x34: {  	[smem:$0x3FB6] =	sst s10  }
0x35: {  	s10 =	sld [smem:$0x3FB5];
	_ =	sdelay $0x3  }
0x36: {  	p1 =	seq.s32 s10, $0x1;
	s10 =	sld [smem:$0x3FB6];
	_ =	sdelay $0x3  }
0x37: {  	[smem:$0x3FB6] =	sst s10  }
0x38: {  	s10 =	sld [smem:$0x3FB7]  }
0x39: {  	_ = 	snop;
	(pc) =	sbr.ind lr, $3  }
0x3a: {  	_ = 	snop  }
0x3b: {  	_ = 	snop  }
0x3c: {  	p2 =	seq.s32 s10, $0x1;
	s10 =	sld [smem:$0x3FB6]  }
0x3d: {  	_ =	shalt  }
0x3e: {  	_ =	shalt  }
0x3f: {  	_ =	shalt  }
0x40: {  	_ =	shalt  }
0x41: {  	_ =	shalt  }
0x42: {  	_ =	shalt  }
0x43: {  	_ =	shalt  }
0x44: {  	_ =	shalt  }
0x45: {  	_ =	shalt  }
0x46: {  	_ =	shalt  }
0x47: {  	_ =	shalt  }
0x48: {  	_ =	shalt  }
0x49: {  	_ =	shalt  }
0x4a: {  	_ =	shalt  }
0x4b: {  	_ =	shalt  }
0x4c: {  	_ =	shalt  }
0x4d: {  	_ =	shalt  }
0x4e: {  	_ =	shalt  }
0x4f: {  	_ =	shalt  }
0x50: {  	_ =	shalt  }
0x51: {  	_ =	shalt  }
0x52: {  	_ =	shalt  }
0x53: {  	_ =	shalt  }
0x54: {  	_ =	shalt  }
0x55: {  	_ =	shalt  }
0x56: {  	_ =	shalt  }
0x57: {  	_ =	shalt  }
0x58: {  	_ =	shalt  }
0x59: {  	_ =	shalt  }
0x5a: {  	_ =	shalt  }
0x5b: {  	_ =	shalt  }
0x5c: {  	_ =	shalt  }
0x5d: {  	_ =	shalt  }
0x5e: {  	_ =	shalt  }
0x5f: {  	_ =	shalt  }
0x60: {  	_ =	shalt  }
0x61: {  	_ =	shalt  }
0x62: {  	_ =	shalt  }
0x63: {  	_ =	shalt  }
0x64: {  	_ =	shalt  }
0x65: {  	_ =	shalt  }
0x66: {  	_ =	shalt  }
0x67: {  	_ =	shalt  }
0x68: {  	_ =	shalt  }
0x69: {  	_ =	shalt  }
0x6a: {  	_ =	shalt  }
0x6b: {  	_ =	shalt  }
0x6c: {  	_ =	shalt  }
0x6d: {  	_ =	shalt  }
0x6e: {  	_ =	shalt  }
0x6f: {  	_ =	shalt  }
0x70: {  	_ =	shalt  }
0x71: {  	_ =	shalt  }
0x72: {  	_ =	shalt  }
0x73: {  	_ =	shalt  }
0x74: {  	_ =	shalt  }
0x75: {  	_ =	shalt  }
0x76: {  	_ =	shalt  }
0x77: {  	_ =	shalt  }
0x78: {  	_ =	shalt  }
0x79: {  	_ =	shalt  }
0x7a: {  	_ =	shalt  }
0x7b: {  	_ =	shalt  }
0x7c: {  	_ =	shalt  }
0x7d: {  	_ =	shalt  }
0x7e: {  	_ =	shalt  }
0x7f: {  	_ =	shalt  }
0x80: {  	_ =	shalt  }
0x81: {  	_ =	shalt  }
0x82: {  	_ =	shalt  }
0x83: {  	_ =	shalt  }
0x84: {  	_ =	shalt  }
0x85: {  	_ =	shalt  }
0x86: {  	_ =	shalt  }
0x87: {  	_ =	shalt  }
.Lfunc_end0:
.L_simem_size_0:
called_computation.2_lowered:
.L_overlay_start_0:
0x88: {  	s2 =	sld [smem:$0x3FD9]  }
0x89: {  	s3 =	sld [smem:$0x3FFE];
	_ =	sdelay $0x1  }
0x8a: {  	s1 =	srdreg.scid  }
0x8b: {  	s0 =	sand.u32 $0x1, s1  }
0x8c: {  	s17 =	sshll.u32 s0, $0xA;
	s2 =	sadd.s32 s3, s2  }
0x8d: {  	s2 =	sadd.s32 s2, s17  }
0x8e: {  	[smem:$0x3FC2] =	sst s2  }
0x8f: {  	_ = 	snop  }
0x90: {  	s2 =	sld [smem:$0x3FD0];
	(tm) =	ssettm $0x1  }
0x91: {  	s18 =	sld [smem:$0x3FFB];
	_ =	sdelay $0x3  }
0x92: {  	_ =	strace s18  }
0x93: {  	s3 =	sld [smem:$0x3FFC];
	_ =	sdelay $0x3  }
0x94: {  	_ =	strace s3  }
0x95: {  	s3 =	sld [smem:$0x3FFD];
	_ =	sdelay $0x3  }
0x96: {  	_ =	strace s3  }
0x97: {  	_ =	strace $0x8FFFFFFF  }
0x98: {  	s19 =	sld [smem:$0x3FDB];
	_ =	sdelay $0x1  }
0x99: {  	s4 =	simm.s32 $_scs_section_size  }
0x9a: {  	s5 =	simm.s32 $_size__tile_overlayer_lowered;
	s6 =	simm.s32 $_tile_overlayer_lowered  }
0x9b: {  	s22 =	simm.s32 $0x1BFF;
	s21 =	sshll.u32 s6, $0x1;
	s3 =	sadd.s32 s4, s19  }
0x9c: {  	s7 =	simm.s32 $0x0;
	s20 =	sshll.u32 s5, $0x1;
	s5 =	sadd.s32 s21, s3  }
0x9d: {  	[timem:s7], [sflag:s22] =	dma.local [hbm:s5], s20  }
0x9e: {  	_ =	swait.ge [sflag:s22], s20  }
0x9f: {  	s4 =	ssub.s32 $0x0, s20;
	[sflag:s22] =	ssyncset.done $0x0  }
0xa0: {  	[sflag:s22] =	ssyncadd.s32 s4;
	_ =	sdelay $0x1  }
0xa1: {  	s23 =	simm.s32 $0x1B8B  }
0xa2: {  	_ =	swait.ge [sflag:s23], $0x1  }
0xa3: {  	[sflag:s23] =	ssyncset.done $0x0  }
0xa4: {  	s25 =	simm.s32 $0x1B8E;
	s24 =	sld [smem:$0x3FFE];
	[sflag:s23] =	ssyncadd.s32 $0xFFFFFFFF  }
0xa5: {  	s26 =	simm.s32 $execute0_lowered;
	[smem:$0x3FD2] =	sst s25  }
0xa6: {  	s5 =	sshll.u32 s26, $0x1;
	_ =	strace $0x8000004C;
	[dreg:$0x1] =	wrdreg $0xFFFFFFFF  }
0xa7: {  	s28 =	simm.s32 $_size_execute0_lowered;
	s3 =	sadd.s32 s3, s5;
	[dreg:$0x0] =	wrdreg $0x0  }
0xa8: {  	s5 =	sshll.u32 s28, $0x1;
	[dreg:$0x2] =	wrdreg s3  }
0xa9: {  	[dreg:$0x3] =	wrdreg s5  }
0xaa: {  	[dreg:$0x4] =	wrdreg $0xC0  }
0xab: {  	_ =	task [dreg:s7], $0x5FFFF  }
0xac: {  	[dreg:$0x1] =	wrdreg $0xFFFFFFFF  }
0xad: {  	[dreg:$0x0] =	wrdreg $0x60  }
0xae: {  	[dreg:$0x2] =	wrdreg s24  }
0xaf: {  	[dreg:$0x3] =	wrdreg s2  }
0xb0: {  	[dreg:$0x4] =	wrdreg $0x60000  }
0xb1: {  	[dreg:$0x5] =	wrdreg $0x9  }
0xb2: {  	_ =	task.clear_ibuf [dreg:s7], $0x6FFFF;
	_ =	strace $0x9000004C  }
0xb3: {  	s29 =	simm.s32 $0x9;
	_ =	strace $0x8000004E  }
0xb4: {  	_ =	swait.ge [sflag:s29], $0x1  }
0xb5: {  	[sflag:s29] =	ssyncadd.s32 $0xFFFFFFFF  }
0xb6: {  	_ =	strace $0x9000004E  }
0xb7: {  	_ =	sfence  }
0xb8: {  	s30 =	sld [smem:$0x0];
	_ =	sdelay $0x2  }
0xb9: {  	s31 =	sshll.u32 s1, $0xD;
	s1 =	sshrl.u32 s1, $0x2  }
0xba: {  	s3 =	sand.u32 $0x4000, s31;
	s1 =	sadd.s32 s1, s30  }
0xbb: {  	s0 =	sor.u32 s3, s0;
	s1 =	sshll.u32 s1, $0x11  }
0xbc: {  	s0 =	sor.u32 s1, s0  }
0xbd: {  	s0 =	sadd.s32 $0x8F2B, s0  }
0xbe: {  	[sflag:s0] =	ssyncadd.remote.s32 $0x1  }
0xbf: {  	_ =	sfence.sel $0xFFFF  }
0xc0: {  	[dreg:$0x0] =	wrdreg $0xFFFFFFFF;
	(pc) =	sbr.abs _section_cstart, $3  }
0xc1: {  	[dreg:$0x1] =	wrdreg $0xFFFFFFFF  }
0xc2: {  	_ =	task.clear_ibuf [dreg:s7], $0x2FFFF;
	_ =	strace $0x9FFFFFFF  }
0xc3: {  	(tm) =	ssettm $0x7FFFFFFF  }
tec
execute0_lowered:
.L_overlay_start_1:
0x0: {  	(tag) =	ssettag $0x1  }
0x1: {  	s7 =	rddreg [dreg:$0x0]  }
0x2: {  	s2 =	rddreg [dreg:$0x1]  }
0x3: {  	s3 =	rddreg [dreg:$0x2]  }
0x4: {  	s0 =	rddreg [dreg:$0x3];
	s4 =	simm.s32 $0x0;
	s1 =	stileid.u32  }
0x5: {  	s5 =	srdreg.scid;
	s16 =	simm.s32 $0x40;
	s17 =	simm.s32 $0x2000  }
0x6: {  	s18 =	simm.s32 $0x80;
	s19 =	simm.s32 $0x4000;
	s20 =	simm.s32 $0x1  }
0x7: {  	s21 =	simm.s32 $0x2;
	s22 =	simm.s32 $0x1F00;
	s23 =	simm.s32 $0x1F80  }
0x8: {  	[smem:$0x7FF] =	sst s4;
	s8 =	smul.u32 $0x14000, s1;
	s9 =	sand.u32 $0x1, s5  }
0x9: {  	s5 =	sadd.s32 $0x29E00, s7;
	s6 =	sadd.s32 $0x7A200, s7;
	s12 =	smul.u32 $0x50000, s1  }
0xa: {  	s30 =	sshll.u32 s1, $0x6;
	s31 =	sshll.u32 s1, $0xD;
	_ =	strace $0x8000004D  }
0xb: {  	s10 =	smul.u32 $0x140000, s9;
	s28 =	ssub.s32 $0x2, s9;
	p0 =	seq.s32 s9, $0x0  }
0xc: {  	s9 =	simm.s32 $0x8;
	s11 =	sshrl.u32 s8, $0x3;
	s13 =	sshrl.u32 s28, $0x1  }
0xd: {  	s29 =	sshrl.u32 s12, $0x2;
	s9 =	simm.s32 @!p0 $0x2;
	s8 =	sadd.s32 s8, s10  }
0xe: {  	s11 =	sadd.s32 s11, s7;
	s13 =	ssub.s32 s28, s13;
	s15 =	sadd.s32 s29, s3  }
0xf: {  	s10 =	sor.u32 $0x80000, s31;
	s8 =	sshrl.u32 s8, $0x3;
	s12 =	smax.u32 s13, $0x1  }
0x10: {  	s13 =	sshrl.u32 s15, $0x3;
	s15 =	simm.s32 $0x1000;
	s14 =	sadd.s32 s8, s7  }
0x11: {  	s7 =	sadd.s32 $0x1E00, s11;
	s8 =	sor.u32 $0x1C03, s30;
	s11 =	sshll.u32 s1, $0xF  }
0x12: {  	s10 =	smov.u32 @p0 s11;
	s11 =	sadd.s32 $0x8E200, s14;
	s14 =	simm.s32 $0x3  }
.LBB2_1:
0x13: {  	[spmem:s13], [sflag:s8] =	dma.local [hbm:s7], $0x2800  }
0x14: {  	_ =	swait.ge [sflag:s14], $0x2800  }
0x15: {  	[sflag:s14] =	ssyncset.done $0x0  }
0x16: {  	[sflag:s14] =	ssyncadd.s32 $0xFFFFD800  }
0x17: {  	s24 =	simm.s32 $0x0;
	[bflag:$0x0] =	sbarrier.arrive $0xFFFF  }
.LBB2_2:
0x18: {  	s25 =	sshll.u32 s24, $0xC  }
0x19: {  	s25 =	sadd.s32 s10, s25  }
0x1a: {  	s25 =	sshrl.u32 s25, $0x3  }
0x1b: {  	s28 =	simm.s32 $0x0;
	s26 =	sadd.s32 s6, s25  }
0x1c: {  	[tilespmem:s28], [sflag:$0x3] =	stream.linear.gather [hbm4b:s26+s28], $0x1000, $0x38;
	[tilespmem:$0x1A000] =	vst v63  }
0x1d: {  	_ =	swait.ge [sflag:s14], $0x1000  }
0x1e: {  	[sflag:s14] =	ssyncset.done $0x0  }
0x1f: {  	s25 =	sadd.s32 s2, s25;
	[sflag:s14] =	ssyncadd.s32 $0xFFFFF000  }
0x20: {  	[tilespmem:s15], [sflag:$0x3] =	stream.linear.gather [hbm4b:s25+s28], $0x1000, $0x38;
	[tilespmem:$0x1A000] =	vst v63  }
0x21: {  	_ =	swait.ge [sflag:s14], $0x1000  }
0x22: {  	[sflag:s14] =	ssyncset.done $0x0  }
0x23: {  	[sflag:s14] =	ssyncadd.s32 $0xFFFFF000  }
0x24: {  	[tilespmem:s17], [sflag:$0x1] =	stream.indirect.gather [hbm4b:s5+s16], $0x80, s28, s16, $0xb8;
	[tilespmem:$0x1A000] =	vst v63  }
0x25: {  	_ = 	snop  }
0x26: {  	[tilespmem:s19], [sflag:$0x2] =	stream.indirect.gather [hbm4b:s5+s16], $0x80, s18, s16, $0xb8;
	[tilespmem:$0x1A000] =	vst v63  }
0x27: {  	_ =	swait.ge [sflag:s20], $0x2000  }
0x28: {  	[sflag:s20] =	ssyncset.done $0x0  }
0x29: {  	s29 =	simm.s32 $0x1000;
	[sflag:s20] =	ssyncadd.s32 $0xFFFFE000  }
0x2a: {  	[spmem:s3] =	stream.indirect.scatter.add.f32 [tilespmem:s17], [sflag:$0x3], $0x80, s29, s16, $0xb8;
	[tilespmem:$0x1A000] =	vst v63  }
0x2b: {  	_ =	swait.ge [sflag:s14], $0x2000  }
0x2c: {  	[sflag:s14] =	ssyncset.done $0x0  }
0x2d: {  	s30 =	simm.s32 $0x100;
	[sflag:s14] =	ssyncadd.s32 $0xFFFFE000  }
0x2e: {  	[tilespmem:s17], [sflag:$0x1] =	stream.indirect.gather [hbm4b:s5+s16], $0x80, s30, s16, $0xb8;
	[tilespmem:$0x1A000] =	vst v63  }
0x2f: {  	_ =	swait.ge [sflag:s21], $0x2000  }
0x30: {  	[sflag:s21] =	ssyncset.done $0x0  }
0x31: {  	s31 =	simm.s32 $0x1080;
	[sflag:s21] =	ssyncadd.s32 $0xFFFFE000  }
0x32: {  	[spmem:s3] =	stream.indirect.scatter.add.f32 [tilespmem:s19], [sflag:$0x3], $0x80, s31, s16, $0xb8;
	[tilespmem:$0x1A000] =	vst v63  }
0x33: {  	_ =	swait.ge [sflag:s14], $0x2000  }
0x34: {  	[sflag:s14] =	ssyncset.done $0x0  }
0x35: {  	s26 =	simm.s32 $0x180;
	s25 =	simm.s32 $0x400;
	[sflag:s14] =	ssyncadd.s32 $0xFFFFE000  }
.LBB2_3:
0x36: {  	[tilespmem:s19], [sflag:$0x2] =	stream.indirect.gather [hbm4b:s5+s16], $0x80, s26, s16, $0xb8;
	[tilespmem:$0x1A000] =	vst v63  }
0x37: {  	s26 =	smov.u32 s25  }
0x38: {  	p0 =	sne.s32 s25, $0x3800;
	s25 =	sadd.s32 $0x400, s25;
	_ =	swait.ge [sflag:s20], $0x2000  }
0x39: {  	s26 =	sshra.s32 s26, $0x2;
	[sflag:s20] =	ssyncset.done $0x0  }
0x3a: {  	s28 =	sadd.s32 $0x1000, s26;
	[sflag:s20] =	ssyncadd.s32 $0xFFFFE000  }
0x3b: {  	[spmem:s3] =	stream.indirect.scatter.add.f32 [tilespmem:s17], [sflag:$0x3], $0x80, s28, s16, $0xb8;
	[tilespmem:$0x1A000] =	vst v63  }
0x3c: {  	_ =	swait.ge [sflag:s14], $0x2000  }
0x3d: {  	[sflag:s14] =	ssyncset.done $0x0  }
0x3e: {  	s28 =	sadd.s32 $0x100, s26;
	[sflag:s14] =	ssyncadd.s32 $0xFFFFE000  }
0x3f: {  	[tilespmem:s17], [sflag:$0x1] =	stream.indirect.gather [hbm4b:s5+s16], $0x80, s28, s16, $0xb8;
	[tilespmem:$0x1A000] =	vst v63  }
0x40: {  	_ =	swait.ge [sflag:s21], $0x2000  }
0x41: {  	[sflag:s21] =	ssyncset.done $0x0  }
.Ltmp0:
0x42: {  	s28 =	sadd.s32 $0x1080, s26;
	[sflag:s21] =	ssyncadd.s32 $0xFFFFE000;
	(pc) =	sbr.rel @p0 .LBB2_3-.Ltmp0, $4  }
0x43: {  	[spmem:s3] =	stream.indirect.scatter.add.f32 [tilespmem:s19], [sflag:$0x3], $0x80, s28, s16, $0xb8;
	[tilespmem:$0x1A000] =	vst v63  }
0x44: {  	_ =	swait.ge [sflag:s14], $0x2000  }
0x45: {  	[sflag:s14] =	ssyncset.done $0x0  }
0x46: {  	s26 =	sadd.s32 $0x180, s26;
	[sflag:s14] =	ssyncadd.s32 $0xFFFFE000  }
0x47: {  	[tilespmem:s19], [sflag:$0x2] =	stream.indirect.gather [hbm4b:s5+s16], $0x80, s26, s16, $0xb8;
	[tilespmem:$0x1A000] =	vst v63  }
0x48: {  	_ =	swait.ge [sflag:s20], $0x2000  }
0x49: {  	[sflag:s20] =	ssyncset.done $0x0  }
0x4a: {  	[sflag:s20] =	ssyncadd.s32 $0xFFFFE000  }
0x4b: {  	[spmem:s3] =	stream.indirect.scatter.add.f32 [tilespmem:s17], [sflag:$0x3], $0x80, s22, s16, $0xb8;
	[tilespmem:$0x1A000] =	vst v63  }
0x4c: {  	_ =	swait.ge [sflag:s14], $0x2000  }
0x4d: {  	[sflag:s14] =	ssyncset.done $0x0  }
0x4e: {  	[sflag:s14] =	ssyncadd.s32 $0xFFFFE000  }
0x4f: {  	s24 =	sadd.s32 $0x1, s24;
	_ =	swait.ge [sflag:s21], $0x2000  }
0x50: {  	p0 =	sne.s32 s24, s9;
	[sflag:s21] =	ssyncset.done $0x0  }
.Ltmp1:
0x51: {  	[sflag:s21] =	ssyncadd.s32 $0xFFFFE000;
	(pc) =	sbr.rel @p0 .LBB2_2-.Ltmp1, $4  }
0x52: {  	[spmem:s3] =	stream.indirect.scatter.add.f32 [tilespmem:s19], [sflag:$0x3], $0x80, s23, s16, $0xb8;
	[tilespmem:$0x1A000] =	vst v63  }
0x53: {  	_ =	swait.ge [sflag:s14], $0x2000  }
0x54: {  	[sflag:s14] =	ssyncset.done $0x0  }
0x55: {  	[sflag:s14] =	ssyncadd.s32 $0xFFFFE000  }
0x56: {  	s4 =	sadd.s32 $0x1, s4  }
0x57: {  	p0 =	sne.s32 s4, s12  }
.Ltmp2:
0x58: {  	[bflag:$0x0] =	sbarrier.arrive $0xFFFF;
	(pc) =	sbr.rel @p0 .LBB2_1-.Ltmp2, $4  }
0x59: {  	[hbm:s11], [sflag:s8] =	dma.local [spmem:s13], $0x2800  }
0x5a: {  	_ =	swait.ge [sflag:s14], $0x2800  }
0x5b: {  	[sflag:s14] =	ssyncset.done $0x0  }
0x5c: {  	[sflag:s14] =	ssyncadd.s32 $0xFFFFD800  }
0x5d: {  	_ =	sfence.sel $0x180000  }
0x5e: {  	[bflag:$0x0] =	sbarrier.arrive $0xFFFF  }
0x5f: {  	p0 =	sne.s32 s1, $0x0;
	_ =	strace $0x9000004D  }
0x60: {  	s0 =	sadd.s32 @!p0 $0x100000, s0;
	[bflag:$0x2] =	sbarrier.arrive $0xFFFF  }
0x61: {  	[sflag:s0] =	ssyncadd.tile.s32 @!p0 $0x1;
	_ =	shalt  }
.Lfunc_end2:
_tile_overlayer_lowered:
.L_overlay_start_2:
0x62: {  	(tag) =	ssettag $0x2  }
0x63: {  	s0 =	rddreg [dreg:$0x0];
	s2 =	stileid.u32  }
0x64: {  	s1 =	rddreg [dreg:$0x1];
	p0 =	sne.s32 s2, $0x0  }
0x65: {  	s3 =	rddreg [dreg:$0x2];
	[bflag:$0x3] =	sbarrier.arrive $0xFFFF;
	s2 =	simm.s32 @!p0 $0x1C03  }
0x66: {  	[timem:s3], [sflag:s2] =	dma.local @!p0 [hbm:s0], s1  }
0x67: {  	s0 =	simm.s32 @!p0 $0x3  }
0x68: {  	_ =	swait.ge @!p0 [sflag:s0], s1  }
0x69: {  	s1 =	ssub.s32 @!p0 $0x0, s1;
	[sflag:s0] =	ssyncset.done @!p0 $0x0  }
0x6a: {  	[sflag:s0] =	ssyncadd.s32 @!p0 s1  }
0x6b: {  	[bflag:$0x3] =	sbarrier.arrive $0xFFFF  }
0x6c: {  	_ =	shalt  }

// kernel: kernel.8.cloned.1.call-start
scs
__scs_entry_jumppad:
0x0: {  	(pc) =	sbr.rel $0x88, $3  }
0x1: {  	(tag) =	ssettag $0x0;
	lr =	simm.s32 $0x1  }
0x2: {  	[smem:$0x3F9B] =	sst lr;
	_ =	strace $0xD0000000  }
0x3: {  	_ = 	snop  }
0x4: {  	_ = 	snop  }
0x5: {  	_ = 	snop  }
0x6: {  	_ = 	snop  }
0x7: {  	_ = 	snop  }
__scs_overlays_trampoline_lowered:
0x8: {  	[smem:$0x3FAA] =	sst s0  }
0x9: {  	[smem:$0x3FAB] =	sst s1  }
0xa: {  	[smem:$0x3FAC] =	sst s2  }
0xb: {  	[smem:$0x3FAD] =	sst s3  }
0xc: {  	[smem:$0x3FAE] =	sst s4  }
0xd: {  	[smem:$0x3FAF] =	sst s5  }
0xe: {  	[smem:$0x3FB0] =	sst s6  }
0xf: {  	[smem:$0x3FB1] =	sst s7  }
0x10: {  	[smem:$0x3FB2] =	sst s8  }
0x11: {  	[smem:$0x3FB3] =	sst s9;
	s0 =	simm.s32 @!p0 $0x0  }
0x12: {  	s1 =	sld [smem:$0x3F99];
	s0 =	simm.s32 @p0 $0x1  }
0x13: {  	[smem:$0x3FB4] =	sst s0;
	s0 =	simm.s32 @!p1 $0x0  }
0x14: {  	s2 =	sld [smem:$0x3F98];
	s0 =	simm.s32 @p1 $0x1  }
0x15: {  	[smem:$0x3FB5] =	sst s0;
	s0 =	simm.s32 @!p2 $0x0  }
0x16: {  	s3 =	sld [smem:$0x3FDB];
	s0 =	simm.s32 @p2 $0x1  }
0x17: {  	s4 =	simm.s32 $0x1BF5;
	[smem:$0x3FB7] =	sst s0  }
0x18: {  	s0 =	sld [smem:$0x3F9A];
	_ =	swait.ge [sflag:s4], $0x0  }
0x19: {  	s7 =	sld [smem:$0x3F9B]  }
0x1a: {  	s8 =	sadd.s32 $0xFFFFE003, lr  }
0x1b: {  	s9 =	sadd.s32 $0xFFFFFEF7, lr;
	s5 =	simm.s32 $0xFFFFFFFF;
	p2 =	slt.u32 s8, $0xFFFFF086  }
0x1c: {  	p1 =	slt.u32 s9, $0xF7A;
	s5 =	simm.s32 @!p2 $0x0  }
0x1d: {  	s5 =	simm.s32 @p1 $0x1;
	p0 =	seq.s32 s7, s2  }
0x1e: {  	s7 =	smul.u32 @!p0 $0xF7A, s2;
	p2 =	seq.s32 @!p0 s5, $0x0  }
0x1f: {  	s9 =	smul.u32 $0xF7A, s1;
	s8 =	simm.s32 @!p0 $0x1BF5;
	p2 =	por !p2, p0  }
0x20: {  	[sflag:s8] =	ssyncset.s32 @!p0 $0xFFFFF086;
	s6 =	sadd.s32 @!p0 s3, s7;
	s7 =	simm.s32 @!p0 $0x108  }
0x21: {  	s3 =	sadd.s32 s3, s9;
	s6 =	sadd.s32 @!p0 $0x88, s6;
	s7 =	simm.s32 @p2 $0x1082  }
0x22: {  	[simem:s7], [sflag:s8] =	dma.local @!p0 [hbm:s6], $0xF7A  }
0x23: {  	s9 =	sor.u32 $0xD0000000, s2;
	s6 =	simm.s32 $0x108;
	_ =	swait.ge @!p0 [sflag:s8], $0x0  }
0x24: {  	s3 =	sadd.s32 $0x88, s3;
	s6 =	simm.s32 @!p1 $0x1082;
	[sflag:s4] =	ssyncset.s32 $0xFFFFF086  }
0x25: {  	[simem:s6], [sflag:s4] =	dma.local [hbm:s3], $0xF7A  }
0x26: {  	[smem:$0x3F9B] =	sst s1;
	(tag) =	ssettag s2;
	_ =	strace s9  }
0x27: {  	s1 =	sld [smem:$0x3FAB]  }
0x28: {  	s2 =	sld [smem:$0x3FAC]  }
0x29: {  	s4 =	sld [smem:$0x3FAE]  }
0x2a: {  	p0 =	seq.s32 s5, $0x0;
	s5 =	sld [smem:$0x3FAF]  }
0x2b: {  	s6 =	sld [smem:$0x3FB0]  }
0x2c: {  	s7 =	sld [smem:$0x3FB1]  }
0x2d: {  	s3 =	simm.s32 $0x108;
	s8 =	sld [smem:$0x3FB2]  }
0x2e: {  	s3 =	simm.s32 @!p0 $0x1082;
	s9 =	sld [smem:$0x3FB3]  }
0x2f: {  	lr =	sadd.s32 s0, s3;
	s0 =	sld [smem:$0x3FAA]  }
0x30: {  	s3 =	sld [smem:$0x3FAD]  }
0x31: {  	[smem:$0x3FB6] =	sst s10  }
0x32: {  	s10 =	sld [smem:$0x3FB4];
	_ =	sdelay $0x3  }
0x33: {  	p0 =	seq.s32 s10, $0x1;
	s10 =	sld [smem:$0x3FB6];
	_ =	sdelay $0x3  }
0x34: {  	[smem:$0x3FB6] =	sst s10  }
0x35: {  	s10 =	sld [smem:$0x3FB5];
	_ =	sdelay $0x3  }
0x36: {  	p1 =	seq.s32 s10, $0x1;
	s10 =	sld [smem:$0x3FB6];
	_ =	sdelay $0x3  }
0x37: {  	[smem:$0x3FB6] =	sst s10  }
0x38: {  	s10 =	sld [smem:$0x3FB7]  }
0x39: {  	_ = 	snop;
	(pc) =	sbr.ind lr, $3  }
0x3a: {  	_ = 	snop  }
0x3b: {  	_ = 	snop  }
0x3c: {  	p2 =	seq.s32 s10, $0x1;
	s10 =	sld [smem:$0x3FB6]  }
0x3d: {  	_ =	shalt  }
0x3e: {  	_ =	shalt  }
0x3f: {  	_ =	shalt  }
0x40: {  	_ =	shalt  }
0x41: {  	_ =	shalt  }
0x42: {  	_ =	shalt  }
0x43: {  	_ =	shalt  }
0x44: {  	_ =	shalt  }
0x45: {  	_ =	shalt  }
0x46: {  	_ =	shalt  }
0x47: {  	_ =	shalt  }
0x48: {  	_ =	shalt  }
0x49: {  	_ =	shalt  }
0x4a: {  	_ =	shalt  }
0x4b: {  	_ =	shalt  }
0x4c: {  	_ =	shalt  }
0x4d: {  	_ =	shalt  }
0x4e: {  	_ =	shalt  }
0x4f: {  	_ =	shalt  }
0x50: {  	_ =	shalt  }
0x51: {  	_ =	shalt  }
0x52: {  	_ =	shalt  }
0x53: {  	_ =	shalt  }
0x54: {  	_ =	shalt  }
0x55: {  	_ =	shalt  }
0x56: {  	_ =	shalt  }
0x57: {  	_ =	shalt  }
0x58: {  	_ =	shalt  }
0x59: {  	_ =	shalt  }
0x5a: {  	_ =	shalt  }
0x5b: {  	_ =	shalt  }
0x5c: {  	_ =	shalt  }
0x5d: {  	_ =	shalt  }
0x5e: {  	_ =	shalt  }
0x5f: {  	_ =	shalt  }
0x60: {  	_ =	shalt  }
0x61: {  	_ =	shalt  }
0x62: {  	_ =	shalt  }
0x63: {  	_ =	shalt  }
0x64: {  	_ =	shalt  }
0x65: {  	_ =	shalt  }
0x66: {  	_ =	shalt  }
0x67: {  	_ =	shalt  }
0x68: {  	_ =	shalt  }
0x69: {  	_ =	shalt  }
0x6a: {  	_ =	shalt  }
0x6b: {  	_ =	shalt  }
0x6c: {  	_ =	shalt  }
0x6d: {  	_ =	shalt  }
0x6e: {  	_ =	shalt  }
0x6f: {  	_ =	shalt  }
0x70: {  	_ =	shalt  }
0x71: {  	_ =	shalt  }
0x72: {  	_ =	shalt  }
0x73: {  	_ =	shalt  }
0x74: {  	_ =	shalt  }
0x75: {  	_ =	shalt  }
0x76: {  	_ =	shalt  }
0x77: {  	_ =	shalt  }
0x78: {  	_ =	shalt  }
0x79: {  	_ =	shalt  }
0x7a: {  	_ =	shalt  }
0x7b: {  	_ =	shalt  }
0x7c: {  	_ =	shalt  }
0x7d: {  	_ =	shalt  }
0x7e: {  	_ =	shalt  }
0x7f: {  	_ =	shalt  }
0x80: {  	_ =	shalt  }
0x81: {  	_ =	shalt  }
0x82: {  	_ =	shalt  }
0x83: {  	_ =	shalt  }
0x84: {  	_ =	shalt  }
0x85: {  	_ =	shalt  }
0x86: {  	_ =	shalt  }
0x87: {  	_ =	shalt  }
.Lfunc_end0:
.L_simem_size_0:
called_computation_lowered:
.L_overlay_start_0:
0x88: {  	s2 =	sld [smem:$0x3FD9]  }
0x89: {  	s3 =	sld [smem:$0x3FFE];
	_ =	sdelay $0x1  }
0x8a: {  	s1 =	srdreg.scid  }
0x8b: {  	s0 =	sand.u32 $0x1, s1  }
0x8c: {  	s17 =	sshll.u32 s0, $0xA;
	s2 =	sadd.s32 s3, s2  }
0x8d: {  	s2 =	sadd.s32 s2, s17  }
0x8e: {  	[smem:$0x3FC2] =	sst s2  }
0x8f: {  	_ = 	snop  }
0x90: {  	s2 =	sld [smem:$0x3FD0];
	(tm) =	ssettm $0x1  }
0x91: {  	s18 =	sld [smem:$0x3FFB];
	_ =	sdelay $0x3  }
0x92: {  	_ =	strace s18  }
0x93: {  	s3 =	sld [smem:$0x3FFC];
	_ =	sdelay $0x3  }
0x94: {  	_ =	strace s3  }
0x95: {  	s3 =	sld [smem:$0x3FFD];
	_ =	sdelay $0x3  }
0x96: {  	_ =	strace s3  }
0x97: {  	_ =	strace $0x8FFFFFFF  }
0x98: {  	s19 =	sld [smem:$0x3FDB];
	_ =	sdelay $0x1  }
0x99: {  	s4 =	simm.s32 $_scs_section_size  }
0x9a: {  	s5 =	simm.s32 $_size__tile_overlayer_lowered;
	s6 =	simm.s32 $_tile_overlayer_lowered  }
0x9b: {  	s22 =	simm.s32 $0x1BFF;
	s21 =	sshll.u32 s6, $0x1;
	s3 =	sadd.s32 s4, s19  }
0x9c: {  	s7 =	simm.s32 $0x0;
	s20 =	sshll.u32 s5, $0x1;
	s5 =	sadd.s32 s21, s3  }
0x9d: {  	[timem:s7], [sflag:s22] =	dma.local [hbm:s5], s20  }
0x9e: {  	_ =	swait.ge [sflag:s22], s20  }
0x9f: {  	s4 =	ssub.s32 $0x0, s20;
	[sflag:s22] =	ssyncset.done $0x0  }
0xa0: {  	[sflag:s22] =	ssyncadd.s32 s4;
	_ =	sdelay $0x1  }
0xa1: {  	s23 =	simm.s32 $0x1B8B  }
0xa2: {  	_ =	swait.ge [sflag:s23], $0x1  }
0xa3: {  	[sflag:s23] =	ssyncset.done $0x0  }
0xa4: {  	s25 =	simm.s32 $0x1B8E;
	s24 =	sld [smem:$0x3FFE];
	[sflag:s23] =	ssyncadd.s32 $0xFFFFFFFF  }
0xa5: {  	s26 =	simm.s32 $execute0_lowered;
	[smem:$0x3FD2] =	sst s25  }
0xa6: {  	s5 =	sshll.u32 s26, $0x1;
	_ =	strace $0x80000046;
	[dreg:$0x1] =	wrdreg $0xFFFFFFFF  }
0xa7: {  	s28 =	simm.s32 $_size_execute0_lowered;
	s3 =	sadd.s32 s3, s5;
	[dreg:$0x0] =	wrdreg $0x0  }
0xa8: {  	s5 =	sshll.u32 s28, $0x1;
	[dreg:$0x2] =	wrdreg s3  }
0xa9: {  	[dreg:$0x3] =	wrdreg s5  }
0xaa: {  	[dreg:$0x4] =	wrdreg $0xC0  }
0xab: {  	_ =	task [dreg:s7], $0x5FFFF  }
0xac: {  	[dreg:$0x1] =	wrdreg $0xFFFFFFFF  }
0xad: {  	[dreg:$0x0] =	wrdreg $0x60  }
0xae: {  	[dreg:$0x2] =	wrdreg s2  }
0xaf: {  	[dreg:$0x3] =	wrdreg s24  }
0xb0: {  	[dreg:$0x4] =	wrdreg $0x70000  }
0xb1: {  	[dreg:$0x5] =	wrdreg $0x9  }
0xb2: {  	_ =	task.clear_ibuf [dreg:s7], $0x6FFFF;
	_ =	strace $0x90000046  }
0xb3: {  	s29 =	simm.s32 $0x9;
	_ =	strace $0x80000048  }
0xb4: {  	_ =	swait.ge [sflag:s29], $0x1  }
0xb5: {  	[sflag:s29] =	ssyncadd.s32 $0xFFFFFFFF  }
0xb6: {  	_ =	strace $0x90000048  }
0xb7: {  	_ =	sfence  }
0xb8: {  	s30 =	sld [smem:$0x0];
	_ =	sdelay $0x2  }
0xb9: {  	s31 =	sshll.u32 s1, $0xD;
	s1 =	sshrl.u32 s1, $0x2  }
0xba: {  	s3 =	sand.u32 $0x4000, s31;
	s1 =	sadd.s32 s1, s30  }
0xbb: {  	s0 =	sor.u32 s3, s0;
	s1 =	sshll.u32 s1, $0x11  }
0xbc: {  	s0 =	sor.u32 s1, s0  }
0xbd: {  	s0 =	sadd.s32 $0x8F2B, s0  }
0xbe: {  	[sflag:s0] =	ssyncadd.remote.s32 $0x1  }
0xbf: {  	_ =	sfence.sel $0xFFFF  }
0xc0: {  	[dreg:$0x0] =	wrdreg $0xFFFFFFFF;
	(pc) =	sbr.abs _section_cstart, $3  }
0xc1: {  	[dreg:$0x1] =	wrdreg $0xFFFFFFFF  }
0xc2: {  	_ =	task.clear_ibuf [dreg:s7], $0x2FFFF;
	_ =	strace $0x9FFFFFFF  }
0xc3: {  	(tm) =	ssettm $0x7FFFFFFF  }
tec
execute0_lowered:
.L_overlay_start_1:
0x0: {  	(tag) =	ssettag $0x1  }
0x1: {  	s7 =	rddreg [dreg:$0x0]  }
0x2: {  	s5 =	rddreg [dreg:$0x1];
	s0 =	stileid.u32  }
0x3: {  	s1 =	srdreg.scid;
	s2 =	rddreg [dreg:$0x2]  }
0x4: {  	s3 =	simm.s32 $0x0;
	s13 =	simm.s32 $0x40;
	s14 =	simm.s32 $0x0  }
0x5: {  	s4 =	smul.u32 $0x14000, s0;
	s6 =	sand.u32 $0x1, s1;
	s1 =	rddreg [dreg:$0x3]  }
0x6: {  	[smem:$0x7FF] =	sst s3;
	s11 =	smul.u32 $0x50000, s0;
	s12 =	sshll.u32 s0, $0x1  }
0x7: {  	s31 =	sshll.u32 s0, $0x6;
	s8 =	smul.u32 $0x140000, s6;
	_ =	strace $0x80000047  }
0x8: {  	s10 =	ssub.s32 $0x2, s6;
	s6 =	sor.u32 s6, s12;
	s12 =	simm.s32 $0x5000  }
0x9: {  	s9 =	sshrl.u32 s4, $0x3;
	s26 =	sshrl.u32 s10, $0x1;
	s28 =	sshrl.u32 s11, $0x2  }
0xa: {  	s29 =	smul.u32 $0xA00, s6;
	s6 =	sor.u32 $0x1C01, s31;
	s11 =	simm.s32 $0x1  }
0xb: {  	s8 =	sadd.s32 s4, s8;
	s4 =	sadd.s32 $0x29E00, s5;
	s9 =	sadd.s32 s9, s5  }
0xc: {  	s10 =	ssub.s32 s10, s26;
	s30 =	sadd.s32 s28, s2;
	s8 =	sshrl.u32 s8, $0x3  }
0xd: {  	s7 =	sadd.s32 s7, s29;
	s8 =	sadd.s32 s8, s5;
	s5 =	sadd.s32 $0x1E00, s9  }
0xe: {  	s9 =	smax.u32 s10, $0x1;
	s10 =	sshrl.u32 s30, $0x3;
	s8 =	sadd.s32 $0x2A200, s8  }
.LBB2_1:
0xf: {  	[spmem:s10], [sflag:s6] =	dma.local [hbm:s5], $0x2800  }
0x10: {  	_ =	swait.ge [sflag:s11], $0x2800  }
0x11: {  	[sflag:s11] =	ssyncset.done $0x0  }
0x12: {  	[sflag:s11] =	ssyncadd.s32 $0xFFFFD800  }
0x13: {  	[tilespmem:s12], [sflag:$0x1] =	stream.linear.gather [hbm4b:s4+s3], $0x2000, $0x38;
	[tilespmem:$0x1B000] =	vst v63  }
0x14: {  	_ =	swait.ge [sflag:s11], $0x2000  }
0x15: {  	[sflag:s11] =	ssyncset.done $0x0  }
0x16: {  	[sflag:s11] =	ssyncadd.s32 $0xFFFFE000  }
0x17: {  	[tilespmem:s3], [sflag:$0x1] =	stream.linear.gather [hbm4b:s7+s3], $0x5000, $0x38;
	[tilespmem:$0x1B000] =	vst v63  }
0x18: {  	_ =	swait.ge [sflag:s11], $0x5000  }
0x19: {  	[sflag:s11] =	ssyncset.done $0x0  }
0x1a: {  	[sflag:s11] =	ssyncadd.s32 $0xFFFFB000  }
0x1b: {  	s15 =	simm.s32 $0x0;
	[bflag:$0x0] =	sbarrier.arrive $0xFFFF  }
0x1c: {  	[spmem:s2] =	stream.indirect.scatter.add.f32 [tilespmem:s12], [sflag:$0x1], $0x80, s15, s13, $0xb8;
	[tilespmem:$0x1B000] =	vst v63  }
0x1d: {  	_ =	swait.ge [sflag:s11], $0x2000  }
0x1e: {  	s15 =	simm.s32 $0x200;
	[sflag:s11] =	ssyncset.done $0x0  }
.LBB2_2:
0x1f: {  	s16 =	sshra.s32 s15, $0x2;
	[sflag:s11] =	ssyncadd.s32 $0xFFFFE000;
	p0 =	sne.s32 s15, $0x13E00  }
0x20: {  	[spmem:s2] =	stream.indirect.scatter.add.f32 [tilespmem:s12], [sflag:$0x1], $0x80, s16, s13, $0xb8;
	[tilespmem:$0x1B000] =	vst v63  }
.Ltmp0:
0x21: {  	_ = 	snop;
	(pc) =	sbr.rel @p0 .LBB2_2-.Ltmp0, $4  }
0x22: {  	_ = 	snop  }
0x23: {  	s15 =	sadd.s32 $0x200, s15  }
0x24: {  	_ =	swait.ge [sflag:s11], $0x2000  }
0x25: {  	[sflag:s11] =	ssyncset.done $0x0  }
0x26: {  	s14 =	sadd.s32 $0x1, s14  }
0x27: {  	[sflag:s11] =	ssyncadd.s32 $0xFFFFE000;
	p0 =	sne.s32 s14, s9  }
.Ltmp1:
0x28: {  	[bflag:$0x0] =	sbarrier.arrive $0xFFFF;
	(pc) =	sbr.rel @p0 .LBB2_1-.Ltmp1, $4  }
0x29: {  	[hbm:s8], [sflag:s6] =	dma.local [spmem:s10], $0x2800  }
0x2a: {  	_ =	swait.ge [sflag:s11], $0x2800  }
0x2b: {  	[sflag:s11] =	ssyncset.done $0x0  }
0x2c: {  	[sflag:s11] =	ssyncadd.s32 $0xFFFFD800  }
0x2d: {  	_ =	sfence.sel $0x180000  }
0x2e: {  	[bflag:$0x0] =	sbarrier.arrive $0xFFFF  }
0x2f: {  	p0 =	sne.s32 s0, $0x0;
	_ =	strace $0x90000047  }
0x30: {  	s0 =	sadd.s32 @!p0 $0x100000, s1;
	[bflag:$0x2] =	sbarrier.arrive $0xFFFF  }
0x31: {  	[sflag:s0] =	ssyncadd.tile.s32 @!p0 $0x1;
	_ =	shalt  }
.Lfunc_end2:
_tile_overlayer_lowered:
.L_overlay_start_2:
0x32: {  	(tag) =	ssettag $0x2  }
0x33: {  	s0 =	rddreg [dreg:$0x0];
	s2 =	stileid.u32  }
0x34: {  	s1 =	rddreg [dreg:$0x1];
	p0 =	sne.s32 s2, $0x0  }
0x35: {  	s3 =	rddreg [dreg:$0x2];
	[bflag:$0x3] =	sbarrier.arrive $0xFFFF;
	s2 =	simm.s32 @!p0 $0x1C01  }
0x36: {  	[timem:s3], [sflag:s2] =	dma.local @!p0 [hbm:s0], s1  }
0x37: {  	s0 =	simm.s32 @!p0 $0x1  }
0x38: {  	_ =	swait.ge @!p0 [sflag:s0], s1  }
0x39: {  	s1 =	ssub.s32 @!p0 $0x0, s1;
	[sflag:s0] =	ssyncset.done @!p0 $0x0  }
0x3a: {  	[sflag:s0] =	ssyncadd.s32 @!p0 s1  }
0x3b: {  	[bflag:$0x3] =	sbarrier.arrive $0xFFFF  }
0x3c: {  	_ =	shalt  }

</sc_bundles>
